<compile_context>
chip_gen: v7x
topology: tpu7x:2x2x1
jax: 0.10.2.dev20260603
libtpu: 0.0.44.dev20260713+nightly
codegen_flags: <defaults>
</compile_context>

<pallas_src>
import functools

import numpy as np
import jax
import jax.numpy as jnp
from jax import lax
from jax.experimental import pallas as pl
from jax.experimental.pallas import tpu as pltpu
from jax.experimental.pallas import tpu_sc as plsc

_B = 16384
_D = 32
_D2 = 64
_NW = 32
_PPW = _B // _NW
_CH = 128
_NCH = _PPW // _CH
_BLK = 2048


def _sp(v):
    return jnp.maximum(v, 0.0) + jnp.log1p(jnp.exp(-jnp.abs(v)))


def _threefry2x32(k0, k1, x0, x1):
    rot = ((13, 15, 26, 6), (17, 29, 16, 24))
    ks = (np.uint32(k0), np.uint32(k1),
          np.uint32(np.uint32(k0) ^ np.uint32(k1) ^ np.uint32(0x1BD11BDA)))
    x0 = (x0 + ks[0]).astype(np.uint32)
    x1 = (x1 + ks[1]).astype(np.uint32)
    for i in range(5):
        for r in rot[i % 2]:
            x0 = (x0 + x1).astype(np.uint32)
            x1 = ((x1 << np.uint32(r)) | (x1 >> np.uint32(32 - r))).astype(np.uint32)
            x1 = x0 ^ x1
        x0 = (x0 + ks[(i + 1) % 3]).astype(np.uint32)
        x1 = (x1 + ks[(i + 2) % 3] + np.uint32(i + 1)).astype(np.uint32)
    return x0, x1


def _erfinv_f32(x):
    x = x.astype(np.float32)
    w = -np.log1p(-(x * x).astype(np.float64)).astype(np.float32)
    small = w < np.float32(5.0)
    ws = w - np.float32(2.5)
    p_s = np.float32(2.81022636e-08)
    for c in (3.43273939e-07, -3.5233877e-06, -4.39150654e-06, 0.00021858087,
              -0.00125372503, -0.00417768164, 0.246640727, 1.50140941):
        p_s = np.float32(c) + p_s * ws
    wl = np.sqrt(np.maximum(w, np.float32(5.0))) - np.float32(3.0)
    p_l = np.float32(-0.000200214257)
    for c in (0.000100950558, 0.00134934322, -0.00367342844, 0.00573950773,
              -0.0076224613, 0.00943887047, 1.00167406, 2.83297682):
        p_l = np.float32(c) + p_l * wl
    return (np.where(small, p_s, p_l) * x).astype(np.float32)


def _fry_normal(key2, n):
    c = np.arange(n, dtype=np.uint64)
    o0, o1 = _threefry2x32(key2[0], key2[1],
                           (c >> np.uint64(32)).astype(np.uint32),
                           (c & np.uint64(0xFFFFFFFF)).astype(np.uint32))
    bits = o0 ^ o1
    f = ((bits >> np.uint32(9)) | np.uint32(0x3F800000)).view(np.float32)
    f = f - np.float32(1.0)
    lo = np.nextafter(np.float32(-1.0), np.float32(0.0))
    hi = np.float32(1.0)
    u = np.maximum(lo, f * (hi - lo) + lo)
    return np.float32(np.sqrt(2.0)) * _erfinv_f32(u)


def _make_eps():
    base = (np.uint32(0), np.uint32(42))
    k_b = _threefry2x32(base[0], base[1], np.uint32([0]), np.uint32([0]))
    k_e = _threefry2x32(base[0], base[1], np.uint32([0]), np.uint32([1]))
    eb = _fry_normal((k_b[0][0], k_b[1][0]), 2 * _B)
    ee = _fry_normal((k_e[0][0], k_e[1][0]), 2 * _B * _D).reshape(2 * _B, _D)
    return (
        np.ascontiguousarray(ee[0::2].T),
        np.ascontiguousarray(ee[1::2].T),
        np.ascontiguousarray(eb[0::2][None, :]),
        np.ascontiguousarray(eb[1::2][None, :]),
    )


_EPS = _make_eps()


def _eps_consts():
    return _EPS


_CBLK = 8192
_CSH = 13
_NCBLK = 62
_EROWS = _NCBLK * _CBLK
_CLAST = 122


def _tc_convert(entT):
    def body(x1, x2, out):
        q = _CBLK // 8
        for k in range(8):
            sl = pl.ds(k * q, q)
            out[sl, 0:_D2] = x1[:, sl].T
            out[sl, _D2:128] = x2[:, sl].T

    return pl.pallas_call(
        body,
        grid=(_NCBLK,),
        in_specs=[
            pl.BlockSpec((_D2, _CBLK), lambda g: (0, jnp.minimum(2 * g, _CLAST))),
            pl.BlockSpec((_D2, _CBLK), lambda g: (0, jnp.minimum(2 * g + 1, _CLAST))),
        ],
        out_specs=pl.BlockSpec((_CBLK, 128), lambda g: (g, 0)),
        out_shape=jax.ShapeDtypeStruct((_EROWS, 128), jnp.float32),
    )(entT, entT)


def _sc_gather_ent(eu_idx, ei_idx, ent2):
    mesh = plsc.VectorSubcoreMesh(core_axis_name="c", subcore_axis_name="s")

    @functools.partial(
        pl.kernel,
        out_type=(
            jax.ShapeDtypeStruct((_B, 128), jnp.float32),
            jax.ShapeDtypeStruct((_B, 128), jnp.float32),
        ),
        mesh=mesh,
        compiler_params=pltpu.CompilerParams(use_tc_tiling_on_sc=False),
        scratch_types=(
            pltpu.VMEM((_NCH, _CH), jnp.int32),
            pltpu.VMEM((_NCH, _CH), jnp.int32),
            pltpu.VMEM((_PPW, 128), jnp.float32),
            pltpu.SemaphoreType.DMA,
        ),
    )
    def gath(uidx_hbm, iidx_hbm, ent_hbm, ent_u_hbm, ent_i_hbm,
             uidx_v, iidx_v, rows_v, sem):
        wid = lax.axis_index("s") * 2 + lax.axis_index("c")
        base = wid * _PPW
        out_sl = pl.ds(base, _PPW)
        pltpu.sync_copy(uidx_hbm.at[wid], uidx_v)
        pltpu.sync_copy(iidx_hbm.at[wid], iidx_v)
        copies = [
            pltpu.async_copy(ent_hbm.at[uidx_v.at[c]],
                             rows_v.at[pl.ds(c * _CH, _CH)], sem)
            for c in range(_NCH)
        ]
        for cp in copies:
            cp.wait()
        pltpu.sync_copy(rows_v, ent_u_hbm.at[out_sl])
        copies = [
            pltpu.async_copy(ent_hbm.at[iidx_v.at[c]],
                             rows_v.at[pl.ds(c * _CH, _CH)], sem)
            for c in range(_NCH)
        ]
        for cp in copies:
            cp.wait()
        pltpu.sync_copy(rows_v, ent_i_hbm.at[out_sl])

    return gath(
        eu_idx.reshape(_NW, _NCH, _CH),
        ei_idx.reshape(_NW, _NCH, _CH),
        ent2,
    )


def _sc_gather_bias(ub_idx, ib_idx, loc16, raw16):
    mesh = plsc.VectorSubcoreMesh(core_axis_name="c", subcore_axis_name="s")

    @functools.partial(
        pl.kernel,
        out_type=(
            jax.ShapeDtypeStruct((_B, 16), jnp.float32),
            jax.ShapeDtypeStruct((_B, 16), jnp.float32),
            jax.ShapeDtypeStruct((_B, 16), jnp.float32),
            jax.ShapeDtypeStruct((_B, 16), jnp.float32),
        ),
        mesh=mesh,
        compiler_params=pltpu.CompilerParams(use_tc_tiling_on_sc=False),
        scratch_types=(
            pltpu.VMEM((_NCH, _CH), jnp.int32),
            pltpu.VMEM((_NCH, _CH), jnp.int32),
            pltpu.VMEM((_PPW, 16), jnp.float32),
            pltpu.VMEM((_PPW, 16), jnp.float32),
            pltpu.VMEM((_PPW, 16), jnp.float32),
            pltpu.VMEM((_PPW, 16), jnp.float32),
            pltpu.SemaphoreType.DMA,
        ),
    )
    def gath(ubidx_hbm, ibidx_hbm, loc_hbm, raw_hbm,
             lu_hbm, ru_hbm, li_hbm, ri_hbm,
             ubidx_v, ibidx_v, lu_v, ru_v, li_v, ri_v, sem):
        wid = lax.axis_index("s") * 2 + lax.axis_index("c")
        base = wid * _PPW
        pltpu.sync_copy(ubidx_hbm.at[wid], ubidx_v)
        pltpu.sync_copy(ibidx_hbm.at[wid], ibidx_v)
        copies = []
        for c in range(_NCH):
            sl = pl.ds(c * _CH, _CH)
            copies.append(pltpu.async_copy(loc_hbm.at[ubidx_v.at[c]], lu_v.at[sl], sem))
            copies.append(pltpu.async_copy(raw_hbm.at[ubidx_v.at[c]], ru_v.at[sl], sem))
            copies.append(pltpu.async_copy(loc_hbm.at[ibidx_v.at[c]], li_v.at[sl], sem))
            copies.append(pltpu.async_copy(raw_hbm.at[ibidx_v.at[c]], ri_v.at[sl], sem))
        for cp in copies:
            cp.wait()
        out_sl = pl.ds(base, _PPW)
        pltpu.sync_copy(lu_v, lu_hbm.at[out_sl])
        pltpu.sync_copy(ru_v, ru_hbm.at[out_sl])
        pltpu.sync_copy(li_v, li_hbm.at[out_sl])
        pltpu.sync_copy(ri_v, ri_hbm.at[out_sl])

    return gath(
        ub_idx.reshape(_NW, _NCH, _CH),
        ib_idx.reshape(_NW, _NCH, _CH),
        loc16,
        raw16,
    )


def _tc_body(eu, ei, blu, bru, bli, bri, selu, seli, hu, hi, zeu, zei, zbu, zbi,
             mean_o, kl_o):
    h_u = hu[...] != 0
    h_i = hi[...] != 0
    loc_u = jnp.where(h_u, eu[64:96, :], eu[0:32, :])
    raw_u = jnp.where(h_u, eu[96:128, :], eu[32:64, :])
    loc_i = jnp.where(h_i, ei[64:96, :], ei[0:32, :])
    raw_i = jnp.where(h_i, ei[96:128, :], ei[32:64, :])
    su = loc_u + _sp(raw_u) * zeu[...]
    si = loc_i + _sp(raw_i) * zei[...]
    dot = jnp.sum(su * si, axis=0, keepdims=True)
    iota = lax.broadcasted_iota(jnp.int32, (16, _BLK), 0)
    m_u = iota == selu[...]
    m_i = iota == seli[...]
    lu = jnp.sum(jnp.where(m_u, blu[...], 0.0), axis=0, keepdims=True)
    ru = jnp.sum(jnp.where(m_u, bru[...], 0.0), axis=0, keepdims=True)
    li = jnp.sum(jnp.where(m_i, bli[...], 0.0), axis=0, keepdims=True)
    ri = jnp.sum(jnp.where(m_i, bri[...], 0.0), axis=0, keepdims=True)
    sbu, sbi = _sp(ru), _sp(ri)
    bsu = lu + sbu * zbu[...]
    bsi = li + sbi * zbi[...]
    mean_o[...] = bsu + bsi + dot
    kl_o[0:1, :] = -jnp.log(sbu) + (sbu * sbu + lu * lu) * 0.5 - 0.5
    kl_o[1:2, :] = -jnp.log(sbi) + (sbi * sbi + li * li) * 0.5 - 0.5


def _tc_compute(entT_u, entT_i, bluT, bruT, bliT, briT, selu, seli, hu, hi,
                zeuT, zeiT, zbuT, zbiT):
    grid = (_B // _BLK,)
    wide = pl.BlockSpec((128, _BLK), lambda g: (0, g))
    b16 = pl.BlockSpec((16, _BLK), lambda g: (0, g))
    row = pl.BlockSpec((1, _BLK), lambda g: (0, g))
    return pl.pallas_call(
        _tc_body,
        grid=grid,
        in_specs=[
            wide, wide, b16, b16, b16, b16, row, row, row, row,
            pl.BlockSpec((_D, _BLK), lambda g: (0, g)),
            pl.BlockSpec((_D, _BLK), lambda g: (0, g)),
            row, row,
        ],
        out_specs=[
            row,
            pl.BlockSpec((2, _BLK), lambda g: (0, g)),
        ],
        out_shape=[
            jax.ShapeDtypeStruct((1, _B), jnp.float32),
            jax.ShapeDtypeStruct((2, _B), jnp.float32),
        ],
    )(entT_u, entT_i, bluT, bruT, bliT, briT, selu, seli, hu, hi,
      zeuT, zeiT, zbuT, zbiT)


def kernel(x, bias_table, entity_table, alpha):
    zeu, zei, zbu, zbi = (jnp.asarray(a) for a in _eps_consts())
    u_idx = x[:, 0].astype(jnp.int32)
    i_idx = x[:, 1].astype(jnp.int32)
    loc16 = bias_table[:, 0].reshape(-1, 16)
    raw16 = bias_table[:, 1].reshape(-1, 16)
    ent2 = _tc_convert(entity_table.T)
    eu_row = ((u_idx >> (_CSH + 1)) << _CSH) + (u_idx & (_CBLK - 1))
    ei_row = ((i_idx >> (_CSH + 1)) << _CSH) + (i_idx & (_CBLK - 1))
    ent_u, ent_i = _sc_gather_ent(eu_row, ei_row, ent2)
    blu, bru, bli, bri = _sc_gather_bias(u_idx >> 4, i_idx >> 4, loc16, raw16)
    selu = (u_idx & 15).reshape(1, _B)
    seli = (i_idx & 15).reshape(1, _B)
    hu = ((u_idx >> _CSH) & 1).reshape(1, _B)
    hi = ((i_idx >> _CSH) & 1).reshape(1, _B)
    mean2, klT = _tc_compute(
        ent_u.T, ent_i.T, blu.T, bru.T, bli.T, bri.T, selu, seli, hu, hi,
        zeu, zei, zbu, zbi
    )
    mean = mean2.reshape(_B)
    kl = klT.T.reshape(2 * _B)
    std_dev = jnp.sqrt(1.0 / _sp(alpha))
    return (mean, std_dev, kl)

# --- scband reference (transcript-rebuilt; emitter-appended) ---
"""Pipeline reference for scband-cf-5686536700142 (READ-ONLY COPY).

The authoritative reference and input builder live on the scoring server;
editing this copy changes nothing except your own understanding.
"""

import jax, jax.numpy as jnp
import numpy as np

N_PLUS_M = 1000000
EMBEDDING_SIZE = 32
BATCH = 16384
N_VARIATIONAL_SAMPLES = 1

def _softplus(v):
    return jnp.logaddexp(v, 0.0)

def setup_inputs(seed: int = 0) -> dict:
    key = jax.random.key(seed)
    k1, k2, k3, k4 = jax.random.split(key, 4)
    # x holds (user_id, item_id) pairs, all indexing into the shared N+M table
    x = jax.random.randint(k1, (BATCH, 2), 0, N_PLUS_M)
    bias_table = jax.random.normal(k2, (N_PLUS_M, 2), dtype=jnp.float32) * 0.1
    entity_table = jax.random.normal(k3, (N_PLUS_M, 2 * EMBEDDING_SIZE), dtype=jnp.float32) * 0.1
    alpha = jax.random.uniform(k4, (1,), dtype=jnp.float32)
    return {"x": x, "bias_table": bias_table, "entity_table": entity_table, "alpha": alpha}

def reference(x, bias_table, entity_table, alpha):
    flat = x.reshape(-1)  # (2B,) user/item ids interleaved
    bias_batch = jnp.take(bias_table, flat, axis=0).reshape(-1, 2)            # (2B, 2)
    entity_batch = jnp.take(entity_table, flat, axis=0).reshape(-1, 2 * EMBEDDING_SIZE)  # (2B, 2D)
    loc_b = bias_batch[:, 0]
    scale_b = _softplus(bias_batch[:, 1])
    loc_e = entity_batch[:, :EMBEDDING_SIZE]
    scale_e = _softplus(entity_batch[:, EMBEDDING_SIZE:])  # diagonal of scale_tril
    # reparameterized samples (rsample), fixed noise key for determinism
    nk = jax.random.key(42)
    eps_b = jax.random.normal(jax.random.fold_in(nk, 0), (N_VARIATIONAL_SAMPLES, flat.shape[0]), dtype=jnp.float32)
    eps_e = jax.random.normal(jax.random.fold_in(nk, 1), (N_VARIATIONAL_SAMPLES, flat.shape[0], EMBEDDING_SIZE), dtype=jnp.float32)
    biases = (loc_b[None, :] + scale_b[None, :] * eps_b).reshape(N_VARIATIONAL_SAMPLES, -1, 2)
    entities = (loc_e[None, :, :] + scale_e[None, :, :] * eps_e).reshape(N_VARIATIONAL_SAMPLES, -1, 2, EMBEDDING_SIZE)
    sum_users_items_biases = biases.sum(axis=2).mean(axis=0).squeeze()   # (B,)
    users_items_emb = entities.prod(axis=2).sum(axis=2).mean(axis=0)     # (B,)
    std_dev = jnp.sqrt(1.0 / _softplus(alpha))
    mean = sum_users_items_biases + users_items_emb
    # KL( N(loc_b, scale_b) || N(0, 1) ) elementwise, shape (2B,)
    kl = -jnp.log(scale_b) + (scale_b ** 2 + loc_b ** 2) / 2.0 - 0.5
    return (mean, std_dev, kl)

if __name__ == "__main__":
    import jax
    _d = setup_inputs()
    print(jax.jit(kernel)(*tuple(_d.values())))

</pallas_src>

<mosaic_0001>
#map = affine_map<(d0, d1) -> (0, 0, 0)>
#map1 = affine_map<(d0, d1) -> (0, 0)>
module attributes {stable_mosaic.version = 14 : i64} {
  func.func @gath(%arg0: i32, %arg1: i32, %arg2: memref<32x4x128xi32, #tpu.memory_space<hbm>>, %arg3: memref<32x4x128xi32, #tpu.memory_space<hbm>>, %arg4: memref<62500x16xf32, #tpu.memory_space<hbm>>, %arg5: memref<62500x16xf32, #tpu.memory_space<hbm>>, %arg6: memref<16384x16xf32, #tpu.memory_space<hbm>>, %arg7: memref<16384x16xf32, #tpu.memory_space<hbm>>, %arg8: memref<16384x16xf32, #tpu.memory_space<hbm>>, %arg9: memref<16384x16xf32, #tpu.memory_space<hbm>>, %arg10: memref<4x128xi32, #tpu.memory_space<vmem>>, %arg11: memref<4x128xi32, #tpu.memory_space<vmem>>, %arg12: memref<512x16xf32, #tpu.memory_space<vmem>>, %arg13: memref<512x16xf32, #tpu.memory_space<vmem>>, %arg14: memref<512x16xf32, #tpu.memory_space<vmem>>, %arg15: memref<512x16xf32, #tpu.memory_space<vmem>>, %arg16: memref<!tpu.dma_semaphore, #tpu.memory_space<semaphore_mem>>) attributes {dimension_semantics = [#tpu.dimension_semantics<core_parallel>, #tpu.dimension_semantics<subcore_parallel>], iteration_bounds = array<i64: 2, 16>, scalar_prefetch = 0 : i64, scratch_operands = 7 : i64, tpu.core_type = #tpu.core_type<sc_vector_subcore>, window_params = [{transform_indices = #map}, {transform_indices = #map}, {transform_indices = #map1}, {transform_indices = #map1}, {transform_indices = #map1}, {transform_indices = #map1}, {transform_indices = #map1}, {transform_indices = #map1}]} {
    %mul3A = arith.constant 2 : i32
    %mul3A_0 = arith.muli %arg1, %mul3A : i32
    %add3A = arith.addi %mul3A_0, %arg0 : i32
    %mul3A_1 = arith.constant 512 : i32
    %mul3A_2 = arith.muli %add3A, %mul3A_1 : i32
    "tpu.region"() ({
      %run_scoped3A = tpu.sem_alloc : memref<!tpu.dma_semaphore, #tpu.memory_space<semaphore_mem>>
      %dma_start3A_321 = arith.constant 0 : i32
      %dma_start3A_322 = arith.constant 0 : i32
      %dma_start3A_323 = tpu.memref_slice %arg2[%add3A, %dma_start3A_321, %dma_start3A_322] : memref<32x4x128xi32, #tpu.memory_space<hbm>> -> memref<1x4x128xi32, #tpu.memory_space<hbm>>
      %dma_start3A_324 = tpu.memref_squeeze %dma_start3A_323 : memref<1x4x128xi32, #tpu.memory_space<hbm>> -> memref<4x128xi32, #tpu.memory_space<hbm>>
      %dma_start3A_325 = arith.constant 0 : i32
      %dma_start3A_326 = arith.constant 0 : i32
      %dma_start3A_327 = tpu.memref_slice %arg2[%add3A, %dma_start3A_325, %dma_start3A_326] : memref<32x4x128xi32, #tpu.memory_space<hbm>> -> memref<1x4x128xi32, #tpu.memory_space<hbm>>
      %dma_start3A_328 = tpu.memref_squeeze %dma_start3A_327 : memref<1x4x128xi32, #tpu.memory_space<hbm>> -> memref<4x128xi32, #tpu.memory_space<hbm>>
      tpu.enqueue_dma source(%dma_start3A_328 : memref<4x128xi32, #tpu.memory_space<hbm>>) target(%arg10 : memref<4x128xi32, #tpu.memory_space<vmem>>) target_semaphore(%run_scoped3A : memref<!tpu.dma_semaphore, #tpu.memory_space<semaphore_mem>>)
      %dma_wait3A_329 = arith.constant 0 : i32
      %dma_wait3A_330 = arith.constant 0 : i32
      %dma_wait3A_331 = tpu.memref_slice %arg2[%add3A, %dma_wait3A_329, %dma_wait3A_330] : memref<32x4x128xi32, #tpu.memory_space<hbm>> -> memref<1x4x128xi32, #tpu.memory_space<hbm>>
      %dma_wait3A_332 = tpu.memref_squeeze %dma_wait3A_331 : memref<1x4x128xi32, #tpu.memory_space<hbm>> -> memref<4x128xi32, #tpu.memory_space<hbm>>
      %dma_wait3A_333 = arith.constant 0 : i32
      %dma_wait3A_334 = arith.constant 0 : i32
      %dma_wait3A_335 = tpu.memref_slice %arg2[%add3A, %dma_wait3A_333, %dma_wait3A_334] : memref<32x4x128xi32, #tpu.memory_space<hbm>> -> memref<1x4x128xi32, #tpu.memory_space<hbm>>
      %dma_wait3A_336 = tpu.memref_squeeze %dma_wait3A_335 : memref<1x4x128xi32, #tpu.memory_space<hbm>> -> memref<4x128xi32, #tpu.memory_space<hbm>>
      tpu.wait_dma2 semaphore(%run_scoped3A : memref<!tpu.dma_semaphore, #tpu.memory_space<semaphore_mem>>) src(%dma_wait3A_336 : memref<4x128xi32, #tpu.memory_space<hbm>>) dst(%arg10 : memref<4x128xi32, #tpu.memory_space<vmem>>)
      tpu.yield
    }) : () -> ()
    "tpu.region"() ({
      %run_scoped3A = tpu.sem_alloc : memref<!tpu.dma_semaphore, #tpu.memory_space<semaphore_mem>>
      %dma_start3A_321 = arith.constant 0 : i32
      %dma_start3A_322 = arith.constant 0 : i32
      %dma_start3A_323 = tpu.memref_slice %arg3[%add3A, %dma_start3A_321, %dma_start3A_322] : memref<32x4x128xi32, #tpu.memory_space<hbm>> -> memref<1x4x128xi32, #tpu.memory_space<hbm>>
      %dma_start3A_324 = tpu.memref_squeeze %dma_start3A_323 : memref<1x4x128xi32, #tpu.memory_space<hbm>> -> memref<4x128xi32, #tpu.memory_space<hbm>>
      %dma_start3A_325 = arith.constant 0 : i32
      %dma_start3A_326 = arith.constant 0 : i32
      %dma_start3A_327 = tpu.memref_slice %arg3[%add3A, %dma_start3A_325, %dma_start3A_326] : memref<32x4x128xi32, #tpu.memory_space<hbm>> -> memref<1x4x128xi32, #tpu.memory_space<hbm>>
      %dma_start3A_328 = tpu.memref_squeeze %dma_start3A_327 : memref<1x4x128xi32, #tpu.memory_space<hbm>> -> memref<4x128xi32, #tpu.memory_space<hbm>>
      tpu.enqueue_dma source(%dma_start3A_328 : memref<4x128xi32, #tpu.memory_space<hbm>>) target(%arg11 : memref<4x128xi32, #tpu.memory_space<vmem>>) target_semaphore(%run_scoped3A : memref<!tpu.dma_semaphore, #tpu.memory_space<semaphore_mem>>)
      %dma_wait3A_329 = arith.constant 0 : i32
      %dma_wait3A_330 = arith.constant 0 : i32
      %dma_wait3A_331 = tpu.memref_slice %arg3[%add3A, %dma_wait3A_329, %dma_wait3A_330] : memref<32x4x128xi32, #tpu.memory_space<hbm>> -> memref<1x4x128xi32, #tpu.memory_space<hbm>>
      %dma_wait3A_332 = tpu.memref_squeeze %dma_wait3A_331 : memref<1x4x128xi32, #tpu.memory_space<hbm>> -> memref<4x128xi32, #tpu.memory_space<hbm>>
      %dma_wait3A_333 = arith.constant 0 : i32
      %dma_wait3A_334 = arith.constant 0 : i32
      %dma_wait3A_335 = tpu.memref_slice %arg3[%add3A, %dma_wait3A_333, %dma_wait3A_334] : memref<32x4x128xi32, #tpu.memory_space<hbm>> -> memref<1x4x128xi32, #tpu.memory_space<hbm>>
      %dma_wait3A_336 = tpu.memref_squeeze %dma_wait3A_335 : memref<1x4x128xi32, #tpu.memory_space<hbm>> -> memref<4x128xi32, #tpu.memory_space<hbm>>
      tpu.wait_dma2 semaphore(%run_scoped3A : memref<!tpu.dma_semaphore, #tpu.memory_space<semaphore_mem>>) src(%dma_wait3A_336 : memref<4x128xi32, #tpu.memory_space<hbm>>) dst(%arg11 : memref<4x128xi32, #tpu.memory_space<vmem>>)
      tpu.yield
    }) : () -> ()
    %dma_start3A = arith.constant 0 : i32
    %dma_start3A_3 = arith.constant 0 : i32
    %dma_start3A_4 = arith.constant 0 : i32
    %dma_start3A_5 = tpu.memref_slice %arg12[%dma_start3A_3, %dma_start3A_4] : memref<512x16xf32, #tpu.memory_space<vmem>> -> memref<128x16xf32, #tpu.memory_space<vmem>>
    %dma_start3A_6 = arith.constant 0 : i32
    %dma_start3A_7 = tpu.memref_slice %arg10[%dma_start3A, %dma_start3A_6] : memref<4x128xi32, #tpu.memory_space<vmem>> -> memref<1x128xi32, #tpu.memory_space<vmem>>
    %dma_start3A_8 = tpu.memref_squeeze %dma_start3A_7 : memref<1x128xi32, #tpu.memory_space<vmem>> -> memref<128xi32, #tpu.memory_space<vmem>>
    %dma_start3A_9 = arith.constant 0 : i32
    %dma_start3A_10 = arith.constant 0 : i32
    %dma_start3A_11 = tpu.memref_slice %arg4[%dma_start3A_9, %dma_start3A_10] : memref<62500x16xf32, #tpu.memory_space<hbm>> -> memref<62500x16xf32, #tpu.memory_space<hbm>>
    tpu.enqueue_indirect_dma source(%dma_start3A_11 : memref<62500x16xf32, #tpu.memory_space<hbm>>) target(%dma_start3A_5 : memref<128x16xf32, #tpu.memory_space<vmem>>) offsets(%dma_start3A_8 : memref<128xi32, #tpu.memory_space<vmem>>) semaphore(%arg16 : memref<!tpu.dma_semaphore, #tpu.memory_space<semaphore_mem>>)
    %dma_start3A_12 = arith.constant 0 : i32
    %dma_start3A_13 = arith.constant 0 : i32
    %dma_start3A_14 = arith.constant 0 : i32
    %dma_start3A_15 = tpu.memref_slice %arg13[%dma_start3A_13, %dma_start3A_14] : memref<512x16xf32, #tpu.memory_space<vmem>> -> memref<128x16xf32, #tpu.memory_space<vmem>>
    %dma_start3A_16 = arith.constant 0 : i32
    %dma_start3A_17 = tpu.memref_slice %arg10[%dma_start3A_12, %dma_start3A_16] : memref<4x128xi32, #tpu.memory_space<vmem>> -> memref<1x128xi32, #tpu.memory_space<vmem>>
    %dma_start3A_18 = tpu.memref_squeeze %dma_start3A_17 : memref<1x128xi32, #tpu.memory_space<vmem>> -> memref<128xi32, #tpu.memory_space<vmem>>
    %dma_start3A_19 = arith.constant 0 : i32
    %dma_start3A_20 = arith.constant 0 : i32
    %dma_start3A_21 = tpu.memref_slice %arg5[%dma_start3A_19, %dma_start3A_20] : memref<62500x16xf32, #tpu.memory_space<hbm>> -> memref<62500x16xf32, #tpu.memory_space<hbm>>
    tpu.enqueue_indirect_dma source(%dma_start3A_21 : memref<62500x16xf32, #tpu.memory_space<hbm>>) target(%dma_start3A_15 : memref<128x16xf32, #tpu.memory_space<vmem>>) offsets(%dma_start3A_18 : memref<128xi32, #tpu.memory_space<vmem>>) semaphore(%arg16 : memref<!tpu.dma_semaphore, #tpu.memory_space<semaphore_mem>>)
    %dma_start3A_22 = arith.constant 0 : i32
    %dma_start3A_23 = arith.constant 0 : i32
    %dma_start3A_24 = arith.constant 0 : i32
    %dma_start3A_25 = tpu.memref_slice %arg14[%dma_start3A_23, %dma_start3A_24] : memref<512x16xf32, #tpu.memory_space<vmem>> -> memref<128x16xf32, #tpu.memory_space<vmem>>
    %dma_start3A_26 = arith.constant 0 : i32
    %dma_start3A_27 = tpu.memref_slice %arg11[%dma_start3A_22, %dma_start3A_26] : memref<4x128xi32, #tpu.memory_space<vmem>> -> memref<1x128xi32, #tpu.memory_space<vmem>>
    %dma_start3A_28 = tpu.memref_squeeze %dma_start3A_27 : memref<1x128xi32, #tpu.memory_space<vmem>> -> memref<128xi32, #tpu.memory_space<vmem>>
    %dma_start3A_29 = arith.constant 0 : i32
    %dma_start3A_30 = arith.constant 0 : i32
    %dma_start3A_31 = tpu.memref_slice %arg4[%dma_start3A_29, %dma_start3A_30] : memref<62500x16xf32, #tpu.memory_space<hbm>> -> memref<62500x16xf32, #tpu.memory_space<hbm>>
    tpu.enqueue_indirect_dma source(%dma_start3A_31 : memref<62500x16xf32, #tpu.memory_space<hbm>>) target(%dma_start3A_25 : memref<128x16xf32, #tpu.memory_space<vmem>>) offsets(%dma_start3A_28 : memref<128xi32, #tpu.memory_space<vmem>>) semaphore(%arg16 : memref<!tpu.dma_semaphore, #tpu.memory_space<semaphore_mem>>)
    %dma_start3A_32 = arith.constant 0 : i32
    %dma_start3A_33 = arith.constant 0 : i32
    %dma_start3A_34 = arith.constant 0 : i32
    %dma_start3A_35 = tpu.memref_slice %arg15[%dma_start3A_33, %dma_start3A_34] : memref<512x16xf32, #tpu.memory_space<vmem>> -> memref<128x16xf32, #tpu.memory_space<vmem>>
    %dma_start3A_36 = arith.constant 0 : i32
    %dma_start3A_37 = tpu.memref_slice %arg11[%dma_start3A_32, %dma_start3A_36] : memref<4x128xi32, #tpu.memory_space<vmem>> -> memref<1x128xi32, #tpu.memory_space<vmem>>
    %dma_start3A_38 = tpu.memref_squeeze %dma_start3A_37 : memref<1x128xi32, #tpu.memory_space<vmem>> -> memref<128xi32, #tpu.memory_space<vmem>>
    %dma_start3A_39 = arith.constant 0 : i32
    %dma_start3A_40 = arith.constant 0 : i32
    %dma_start3A_41 = tpu.memref_slice %arg5[%dma_start3A_39, %dma_start3A_40] : memref<62500x16xf32, #tpu.memory_space<hbm>> -> memref<62500x16xf32, #tpu.memory_space<hbm>>
    tpu.enqueue_indirect_dma source(%dma_start3A_41 : memref<62500x16xf32, #tpu.memory_space<hbm>>) target(%dma_start3A_35 : memref<128x16xf32, #tpu.memory_space<vmem>>) offsets(%dma_start3A_38 : memref<128xi32, #tpu.memory_space<vmem>>) semaphore(%arg16 : memref<!tpu.dma_semaphore, #tpu.memory_space<semaphore_mem>>)
    %dma_start3A_42 = arith.constant 1 : i32
    %dma_start3A_43 = arith.constant 128 : i32
    %dma_start3A_44 = arith.constant 0 : i32
    %dma_start3A_45 = tpu.memref_slice %arg12[%dma_start3A_43, %dma_start3A_44] : memref<512x16xf32, #tpu.memory_space<vmem>> -> memref<128x16xf32, #tpu.memory_space<vmem>>
    %dma_start3A_46 = arith.constant 0 : i32
    %dma_start3A_47 = tpu.memref_slice %arg10[%dma_start3A_42, %dma_start3A_46] : memref<4x128xi32, #tpu.memory_space<vmem>> -> memref<1x128xi32, #tpu.memory_space<vmem>>
    %dma_start3A_48 = tpu.memref_squeeze %dma_start3A_47 : memref<1x128xi32, #tpu.memory_space<vmem>> -> memref<128xi32, #tpu.memory_space<vmem>>
    %dma_start3A_49 = arith.constant 0 : i32
    %dma_start3A_50 = arith.constant 0 : i32
    %dma_start3A_51 = tpu.memref_slice %arg4[%dma_start3A_49, %dma_start3A_50] : memref<62500x16xf32, #tpu.memory_space<hbm>> -> memref<62500x16xf32, #tpu.memory_space<hbm>>
    tpu.enqueue_indirect_dma source(%dma_start3A_51 : memref<62500x16xf32, #tpu.memory_space<hbm>>) target(%dma_start3A_45 : memref<128x16xf32, #tpu.memory_space<vmem>>) offsets(%dma_start3A_48 : memref<128xi32, #tpu.memory_space<vmem>>) semaphore(%arg16 : memref<!tpu.dma_semaphore, #tpu.memory_space<semaphore_mem>>)
    %dma_start3A_52 = arith.constant 1 : i32
    %dma_start3A_53 = arith.constant 128 : i32
    %dma_start3A_54 = arith.constant 0 : i32
    %dma_start3A_55 = tpu.memref_slice %arg13[%dma_start3A_53, %dma_start3A_54] : memref<512x16xf32, #tpu.memory_space<vmem>> -> memref<128x16xf32, #tpu.memory_space<vmem>>
    %dma_start3A_56 = arith.constant 0 : i32
    %dma_start3A_57 = tpu.memref_slice %arg10[%dma_start3A_52, %dma_start3A_56] : memref<4x128xi32, #tpu.memory_space<vmem>> -> memref<1x128xi32, #tpu.memory_space<vmem>>
    %dma_start3A_58 = tpu.memref_squeeze %dma_start3A_57 : memref<1x128xi32, #tpu.memory_space<vmem>> -> memref<128xi32, #tpu.memory_space<vmem>>
    %dma_start3A_59 = arith.constant 0 : i32
    %dma_start3A_60 = arith.constant 0 : i32
    %dma_start3A_61 = tpu.memref_slice %arg5[%dma_start3A_59, %dma_start3A_60] : memref<62500x16xf32, #tpu.memory_space<hbm>> -> memref<62500x16xf32, #tpu.memory_space<hbm>>
    tpu.enqueue_indirect_dma source(%dma_start3A_61 : memref<62500x16xf32, #tpu.memory_space<hbm>>) target(%dma_start3A_55 : memref<128x16xf32, #tpu.memory_space<vmem>>) offsets(%dma_start3A_58 : memref<128xi32, #tpu.memory_space<vmem>>) semaphore(%arg16 : memref<!tpu.dma_semaphore, #tpu.memory_space<semaphore_mem>>)
    %dma_start3A_62 = arith.constant 1 : i32
    %dma_start3A_63 = arith.constant 128 : i32
    %dma_start3A_64 = arith.constant 0 : i32
    %dma_start3A_65 = tpu.memref_slice %arg14[%dma_start3A_63, %dma_start3A_64] : memref<512x16xf32, #tpu.memory_space<vmem>> -> memref<128x16xf32, #tpu.memory_space<vmem>>
    %dma_start3A_66 = arith.constant 0 : i32
    %dma_start3A_67 = tpu.memref_slice %arg11[%dma_start3A_62, %dma_start3A_66] : memref<4x128xi32, #tpu.memory_space<vmem>> -> memref<1x128xi32, #tpu.memory_space<vmem>>
    %dma_start3A_68 = tpu.memref_squeeze %dma_start3A_67 : memref<1x128xi32, #tpu.memory_space<vmem>> -> memref<128xi32, #tpu.memory_space<vmem>>
    %dma_start3A_69 = arith.constant 0 : i32
    %dma_start3A_70 = arith.constant 0 : i32
    %dma_start3A_71 = tpu.memref_slice %arg4[%dma_start3A_69, %dma_start3A_70] : memref<62500x16xf32, #tpu.memory_space<hbm>> -> memref<62500x16xf32, #tpu.memory_space<hbm>>
    tpu.enqueue_indirect_dma source(%dma_start3A_71 : memref<62500x16xf32, #tpu.memory_space<hbm>>) target(%dma_start3A_65 : memref<128x16xf32, #tpu.memory_space<vmem>>) offsets(%dma_start3A_68 : memref<128xi32, #tpu.memory_space<vmem>>) semaphore(%arg16 : memref<!tpu.dma_semaphore, #tpu.memory_space<semaphore_mem>>)
    %dma_start3A_72 = arith.constant 1 : i32
    %dma_start3A_73 = arith.constant 128 : i32
    %dma_start3A_74 = arith.constant 0 : i32
    %dma_start3A_75 = tpu.memref_slice %arg15[%dma_start3A_73, %dma_start3A_74] : memref<512x16xf32, #tpu.memory_space<vmem>> -> memref<128x16xf32, #tpu.memory_space<vmem>>
    %dma_start3A_76 = arith.constant 0 : i32
    %dma_start3A_77 = tpu.memref_slice %arg11[%dma_start3A_72, %dma_start3A_76] : memref<4x128xi32, #tpu.memory_space<vmem>> -> memref<1x128xi32, #tpu.memory_space<vmem>>
    %dma_start3A_78 = tpu.memref_squeeze %dma_start3A_77 : memref<1x128xi32, #tpu.memory_space<vmem>> -> memref<128xi32, #tpu.memory_space<vmem>>
    %dma_start3A_79 = arith.constant 0 : i32
    %dma_start3A_80 = arith.constant 0 : i32
    %dma_start3A_81 = tpu.memref_slice %arg5[%dma_start3A_79, %dma_start3A_80] : memref<62500x16xf32, #tpu.memory_space<hbm>> -> memref<62500x16xf32, #tpu.memory_space<hbm>>
    tpu.enqueue_indirect_dma source(%dma_start3A_81 : memref<62500x16xf32, #tpu.memory_space<hbm>>) target(%dma_start3A_75 : memref<128x16xf32, #tpu.memory_space<vmem>>) offsets(%dma_start3A_78 : memref<128xi32, #tpu.memory_space<vmem>>) semaphore(%arg16 : memref<!tpu.dma_semaphore, #tpu.memory_space<semaphore_mem>>)
    %dma_start3A_82 = arith.constant 2 : i32
    %dma_start3A_83 = arith.constant 256 : i32
    %dma_start3A_84 = arith.constant 0 : i32
    %dma_start3A_85 = tpu.memref_slice %arg12[%dma_start3A_83, %dma_start3A_84] : memref<512x16xf32, #tpu.memory_space<vmem>> -> memref<128x16xf32, #tpu.memory_space<vmem>>
    %dma_start3A_86 = arith.constant 0 : i32
    %dma_start3A_87 = tpu.memref_slice %arg10[%dma_start3A_82, %dma_start3A_86] : memref<4x128xi32, #tpu.memory_space<vmem>> -> memref<1x128xi32, #tpu.memory_space<vmem>>
    %dma_start3A_88 = tpu.memref_squeeze %dma_start3A_87 : memref<1x128xi32, #tpu.memory_space<vmem>> -> memref<128xi32, #tpu.memory_space<vmem>>
    %dma_start3A_89 = arith.constant 0 : i32
    %dma_start3A_90 = arith.constant 0 : i32
    %dma_start3A_91 = tpu.memref_slice %arg4[%dma_start3A_89, %dma_start3A_90] : memref<62500x16xf32, #tpu.memory_space<hbm>> -> memref<62500x16xf32, #tpu.memory_space<hbm>>
    tpu.enqueue_indirect_dma source(%dma_start3A_91 : memref<62500x16xf32, #tpu.memory_space<hbm>>) target(%dma_start3A_85 : memref<128x16xf32, #tpu.memory_space<vmem>>) offsets(%dma_start3A_88 : memref<128xi32, #tpu.memory_space<vmem>>) semaphore(%arg16 : memref<!tpu.dma_semaphore, #tpu.memory_space<semaphore_mem>>)
    %dma_start3A_92 = arith.constant 2 : i32
    %dma_start3A_93 = arith.constant 256 : i32
    %dma_start3A_94 = arith.constant 0 : i32
    %dma_start3A_95 = tpu.memref_slice %arg13[%dma_start3A_93, %dma_start3A_94] : memref<512x16xf32, #tpu.memory_space<vmem>> -> memref<128x16xf32, #tpu.memory_space<vmem>>
    %dma_start3A_96 = arith.constant 0 : i32
    %dma_start3A_97 = tpu.memref_slice %arg10[%dma_start3A_92, %dma_start3A_96] : memref<4x128xi32, #tpu.memory_space<vmem>> -> memref<1x128xi32, #tpu.memory_space<vmem>>
    %dma_start3A_98 = tpu.memref_squeeze %dma_start3A_97 : memref<1x128xi32, #tpu.memory_space<vmem>> -> memref<128xi32, #tpu.memory_space<vmem>>
    %dma_start3A_99 = arith.constant 0 : i32
    %dma_start3A_100 = arith.constant 0 : i32
    %dma_start3A_101 = tpu.memref_slice %arg5[%dma_start3A_99, %dma_start3A_100] : memref<62500x16xf32, #tpu.memory_space<hbm>> -> memref<62500x16xf32, #tpu.memory_space<hbm>>
    tpu.enqueue_indirect_dma source(%dma_start3A_101 : memref<62500x16xf32, #tpu.memory_space<hbm>>) target(%dma_start3A_95 : memref<128x16xf32, #tpu.memory_space<vmem>>) offsets(%dma_start3A_98 : memref<128xi32, #tpu.memory_space<vmem>>) semaphore(%arg16 : memref<!tpu.dma_semaphore, #tpu.memory_space<semaphore_mem>>)
    %dma_start3A_102 = arith.constant 2 : i32
    %dma_start3A_103 = arith.constant 256 : i32
    %dma_start3A_104 = arith.constant 0 : i32
    %dma_start3A_105 = tpu.memref_slice %arg14[%dma_start3A_103, %dma_start3A_104] : memref<512x16xf32, #tpu.memory_space<vmem>> -> memref<128x16xf32, #tpu.memory_space<vmem>>
    %dma_start3A_106 = arith.constant 0 : i32
    %dma_start3A_107 = tpu.memref_slice %arg11[%dma_start3A_102, %dma_start3A_106] : memref<4x128xi32, #tpu.memory_space<vmem>> -> memref<1x128xi32, #tpu.memory_space<vmem>>
    %dma_start3A_108 = tpu.memref_squeeze %dma_start3A_107 : memref<1x128xi32, #tpu.memory_space<vmem>> -> memref<128xi32, #tpu.memory_space<vmem>>
    %dma_start3A_109 = arith.constant 0 : i32
    %dma_start3A_110 = arith.constant 0 : i32
    %dma_start3A_111 = tpu.memref_slice %arg4[%dma_start3A_109, %dma_start3A_110] : memref<62500x16xf32, #tpu.memory_space<hbm>> -> memref<62500x16xf32, #tpu.memory_space<hbm>>
    tpu.enqueue_indirect_dma source(%dma_start3A_111 : memref<62500x16xf32, #tpu.memory_space<hbm>>) target(%dma_start3A_105 : memref<128x16xf32, #tpu.memory_space<vmem>>) offsets(%dma_start3A_108 : memref<128xi32, #tpu.memory_space<vmem>>) semaphore(%arg16 : memref<!tpu.dma_semaphore, #tpu.memory_space<semaphore_mem>>)
    %dma_start3A_112 = arith.constant 2 : i32
    %dma_start3A_113 = arith.constant 256 : i32
    %dma_start3A_114 = arith.constant 0 : i32
    %dma_start3A_115 = tpu.memref_slice %arg15[%dma_start3A_113, %dma_start3A_114] : memref<512x16xf32, #tpu.memory_space<vmem>> -> memref<128x16xf32, #tpu.memory_space<vmem>>
    %dma_start3A_116 = arith.constant 0 : i32
    %dma_start3A_117 = tpu.memref_slice %arg11[%dma_start3A_112, %dma_start3A_116] : memref<4x128xi32, #tpu.memory_space<vmem>> -> memref<1x128xi32, #tpu.memory_space<vmem>>
    %dma_start3A_118 = tpu.memref_squeeze %dma_start3A_117 : memref<1x128xi32, #tpu.memory_space<vmem>> -> memref<128xi32, #tpu.memory_space<vmem>>
    %dma_start3A_119 = arith.constant 0 : i32
    %dma_start3A_120 = arith.constant 0 : i32
    %dma_start3A_121 = tpu.memref_slice %arg5[%dma_start3A_119, %dma_start3A_120] : memref<62500x16xf32, #tpu.memory_space<hbm>> -> memref<62500x16xf32, #tpu.memory_space<hbm>>
    tpu.enqueue_indirect_dma source(%dma_start3A_121 : memref<62500x16xf32, #tpu.memory_space<hbm>>) target(%dma_start3A_115 : memref<128x16xf32, #tpu.memory_space<vmem>>) offsets(%dma_start3A_118 : memref<128xi32, #tpu.memory_space<vmem>>) semaphore(%arg16 : memref<!tpu.dma_semaphore, #tpu.memory_space<semaphore_mem>>)
    %dma_start3A_122 = arith.constant 3 : i32
    %dma_start3A_123 = arith.constant 384 : i32
    %dma_start3A_124 = arith.constant 0 : i32
    %dma_start3A_125 = tpu.memref_slice %arg12[%dma_start3A_123, %dma_start3A_124] : memref<512x16xf32, #tpu.memory_space<vmem>> -> memref<128x16xf32, #tpu.memory_space<vmem>>
    %dma_start3A_126 = arith.constant 0 : i32
    %dma_start3A_127 = tpu.memref_slice %arg10[%dma_start3A_122, %dma_start3A_126] : memref<4x128xi32, #tpu.memory_space<vmem>> -> memref<1x128xi32, #tpu.memory_space<vmem>>
    %dma_start3A_128 = tpu.memref_squeeze %dma_start3A_127 : memref<1x128xi32, #tpu.memory_space<vmem>> -> memref<128xi32, #tpu.memory_space<vmem>>
    %dma_start3A_129 = arith.constant 0 : i32
    %dma_start3A_130 = arith.constant 0 : i32
    %dma_start3A_131 = tpu.memref_slice %arg4[%dma_start3A_129, %dma_start3A_130] : memref<62500x16xf32, #tpu.memory_space<hbm>> -> memref<62500x16xf32, #tpu.memory_space<hbm>>
    tpu.enqueue_indirect_dma source(%dma_start3A_131 : memref<62500x16xf32, #tpu.memory_space<hbm>>) target(%dma_start3A_125 : memref<128x16xf32, #tpu.memory_space<vmem>>) offsets(%dma_start3A_128 : memref<128xi32, #tpu.memory_space<vmem>>) semaphore(%arg16 : memref<!tpu.dma_semaphore, #tpu.memory_space<semaphore_mem>>)
    %dma_start3A_132 = arith.constant 3 : i32
    %dma_start3A_133 = arith.constant 384 : i32
    %dma_start3A_134 = arith.constant 0 : i32
    %dma_start3A_135 = tpu.memref_slice %arg13[%dma_start3A_133, %dma_start3A_134] : memref<512x16xf32, #tpu.memory_space<vmem>> -> memref<128x16xf32, #tpu.memory_space<vmem>>
    %dma_start3A_136 = arith.constant 0 : i32
    %dma_start3A_137 = tpu.memref_slice %arg10[%dma_start3A_132, %dma_start3A_136] : memref<4x128xi32, #tpu.memory_space<vmem>> -> memref<1x128xi32, #tpu.memory_space<vmem>>
    %dma_start3A_138 = tpu.memref_squeeze %dma_start3A_137 : memref<1x128xi32, #tpu.memory_space<vmem>> -> memref<128xi32, #tpu.memory_space<vmem>>
    %dma_start3A_139 = arith.constant 0 : i32
    %dma_start3A_140 = arith.constant 0 : i32
    %dma_start3A_141 = tpu.memref_slice %arg5[%dma_start3A_139, %dma_start3A_140] : memref<62500x16xf32, #tpu.memory_space<hbm>> -> memref<62500x16xf32, #tpu.memory_space<hbm>>
    tpu.enqueue_indirect_dma source(%dma_start3A_141 : memref<62500x16xf32, #tpu.memory_space<hbm>>) target(%dma_start3A_135 : memref<128x16xf32, #tpu.memory_space<vmem>>) offsets(%dma_start3A_138 : memref<128xi32, #tpu.memory_space<vmem>>) semaphore(%arg16 : memref<!tpu.dma_semaphore, #tpu.memory_space<semaphore_mem>>)
    %dma_start3A_142 = arith.constant 3 : i32
    %dma_start3A_143 = arith.constant 384 : i32
    %dma_start3A_144 = arith.constant 0 : i32
    %dma_start3A_145 = tpu.memref_slice %arg14[%dma_start3A_143, %dma_start3A_144] : memref<512x16xf32, #tpu.memory_space<vmem>> -> memref<128x16xf32, #tpu.memory_space<vmem>>
    %dma_start3A_146 = arith.constant 0 : i32
    %dma_start3A_147 = tpu.memref_slice %arg11[%dma_start3A_142, %dma_start3A_146] : memref<4x128xi32, #tpu.memory_space<vmem>> -> memref<1x128xi32, #tpu.memory_space<vmem>>
    %dma_start3A_148 = tpu.memref_squeeze %dma_start3A_147 : memref<1x128xi32, #tpu.memory_space<vmem>> -> memref<128xi32, #tpu.memory_space<vmem>>
    %dma_start3A_149 = arith.constant 0 : i32
    %dma_start3A_150 = arith.constant 0 : i32
    %dma_start3A_151 = tpu.memref_slice %arg4[%dma_start3A_149, %dma_start3A_150] : memref<62500x16xf32, #tpu.memory_space<hbm>> -> memref<62500x16xf32, #tpu.memory_space<hbm>>
    tpu.enqueue_indirect_dma source(%dma_start3A_151 : memref<62500x16xf32, #tpu.memory_space<hbm>>) target(%dma_start3A_145 : memref<128x16xf32, #tpu.memory_space<vmem>>) offsets(%dma_start3A_148 : memref<128xi32, #tpu.memory_space<vmem>>) semaphore(%arg16 : memref<!tpu.dma_semaphore, #tpu.memory_space<semaphore_mem>>)
    %dma_start3A_152 = arith.constant 3 : i32
    %dma_start3A_153 = arith.constant 384 : i32
    %dma_start3A_154 = arith.constant 0 : i32
    %dma_start3A_155 = tpu.memref_slice %arg15[%dma_start3A_153, %dma_start3A_154] : memref<512x16xf32, #tpu.memory_space<vmem>> -> memref<128x16xf32, #tpu.memory_space<vmem>>
    %dma_start3A_156 = arith.constant 0 : i32
    %dma_start3A_157 = tpu.memref_slice %arg11[%dma_start3A_152, %dma_start3A_156] : memref<4x128xi32, #tpu.memory_space<vmem>> -> memref<1x128xi32, #tpu.memory_space<vmem>>
    %dma_start3A_158 = tpu.memref_squeeze %dma_start3A_157 : memref<1x128xi32, #tpu.memory_space<vmem>> -> memref<128xi32, #tpu.memory_space<vmem>>
    %dma_start3A_159 = arith.constant 0 : i32
    %dma_start3A_160 = arith.constant 0 : i32
    %dma_start3A_161 = tpu.memref_slice %arg5[%dma_start3A_159, %dma_start3A_160] : memref<62500x16xf32, #tpu.memory_space<hbm>> -> memref<62500x16xf32, #tpu.memory_space<hbm>>
    tpu.enqueue_indirect_dma source(%dma_start3A_161 : memref<62500x16xf32, #tpu.memory_space<hbm>>) target(%dma_start3A_155 : memref<128x16xf32, #tpu.memory_space<vmem>>) offsets(%dma_start3A_158 : memref<128xi32, #tpu.memory_space<vmem>>) semaphore(%arg16 : memref<!tpu.dma_semaphore, #tpu.memory_space<semaphore_mem>>)
    %dma_wait3A = arith.constant 0 : i32
    %dma_wait3A_162 = arith.constant 0 : i32
    %dma_wait3A_163 = arith.constant 0 : i32
    %dma_wait3A_164 = tpu.memref_slice %arg12[%dma_wait3A_162, %dma_wait3A_163] : memref<512x16xf32, #tpu.memory_space<vmem>> -> memref<128x16xf32, #tpu.memory_space<vmem>>
    %dma_wait3A_165 = arith.constant 0 : i32
    %dma_wait3A_166 = tpu.memref_slice %arg10[%dma_wait3A, %dma_wait3A_165] : memref<4x128xi32, #tpu.memory_space<vmem>> -> memref<1x128xi32, #tpu.memory_space<vmem>>
    %dma_wait3A_167 = tpu.memref_squeeze %dma_wait3A_166 : memref<1x128xi32, #tpu.memory_space<vmem>> -> memref<128xi32, #tpu.memory_space<vmem>>
    %dma_wait3A_168 = arith.constant 0 : i32
    %dma_wait3A_169 = arith.constant 0 : i32
    %dma_wait3A_170 = tpu.memref_slice %arg4[%dma_wait3A_168, %dma_wait3A_169] : memref<62500x16xf32, #tpu.memory_space<hbm>> -> memref<62500x16xf32, #tpu.memory_space<hbm>>
    tpu.wait_indirect_dma semaphore(%arg16 : memref<!tpu.dma_semaphore, #tpu.memory_space<semaphore_mem>>) src(%dma_wait3A_170 : memref<62500x16xf32, #tpu.memory_space<hbm>>) dst(%dma_wait3A_164 : memref<128x16xf32, #tpu.memory_space<vmem>>)
    %dma_wait3A_171 = arith.constant 0 : i32
    %dma_wait3A_172 = arith.constant 0 : i32
    %dma_wait3A_173 = arith.constant 0 : i32
    %dma_wait3A_174 = tpu.memref_slice %arg13[%dma_wait3A_172, %dma_wait3A_173] : memref<512x16xf32, #tpu.memory_space<vmem>> -> memref<128x16xf32, #tpu.memory_space<vmem>>
    %dma_wait3A_175 = arith.constant 0 : i32
    %dma_wait3A_176 = tpu.memref_slice %arg10[%dma_wait3A_171, %dma_wait3A_175] : memref<4x128xi32, #tpu.memory_space<vmem>> -> memref<1x128xi32, #tpu.memory_space<vmem>>
    %dma_wait3A_177 = tpu.memref_squeeze %dma_wait3A_176 : memref<1x128xi32, #tpu.memory_space<vmem>> -> memref<128xi32, #tpu.memory_space<vmem>>
    %dma_wait3A_178 = arith.constant 0 : i32
    %dma_wait3A_179 = arith.constant 0 : i32
    %dma_wait3A_180 = tpu.memref_slice %arg5[%dma_wait3A_178, %dma_wait3A_179] : memref<62500x16xf32, #tpu.memory_space<hbm>> -> memref<62500x16xf32, #tpu.memory_space<hbm>>
    tpu.wait_indirect_dma semaphore(%arg16 : memref<!tpu.dma_semaphore, #tpu.memory_space<semaphore_mem>>) src(%dma_wait3A_180 : memref<62500x16xf32, #tpu.memory_space<hbm>>) dst(%dma_wait3A_174 : memref<128x16xf32, #tpu.memory_space<vmem>>)
    %dma_wait3A_181 = arith.constant 0 : i32
    %dma_wait3A_182 = arith.constant 0 : i32
    %dma_wait3A_183 = arith.constant 0 : i32
    %dma_wait3A_184 = tpu.memref_slice %arg14[%dma_wait3A_182, %dma_wait3A_183] : memref<512x16xf32, #tpu.memory_space<vmem>> -> memref<128x16xf32, #tpu.memory_space<vmem>>
    %dma_wait3A_185 = arith.constant 0 : i32
    %dma_wait3A_186 = tpu.memref_slice %arg11[%dma_wait3A_181, %dma_wait3A_185] : memref<4x128xi32, #tpu.memory_space<vmem>> -> memref<1x128xi32, #tpu.memory_space<vmem>>
    %dma_wait3A_187 = tpu.memref_squeeze %dma_wait3A_186 : memref<1x128xi32, #tpu.memory_space<vmem>> -> memref<128xi32, #tpu.memory_space<vmem>>
    %dma_wait3A_188 = arith.constant 0 : i32
    %dma_wait3A_189 = arith.constant 0 : i32
    %dma_wait3A_190 = tpu.memref_slice %arg4[%dma_wait3A_188, %dma_wait3A_189] : memref<62500x16xf32, #tpu.memory_space<hbm>> -> memref<62500x16xf32, #tpu.memory_space<hbm>>
    tpu.wait_indirect_dma semaphore(%arg16 : memref<!tpu.dma_semaphore, #tpu.memory_space<semaphore_mem>>) src(%dma_wait3A_190 : memref<62500x16xf32, #tpu.memory_space<hbm>>) dst(%dma_wait3A_184 : memref<128x16xf32, #tpu.memory_space<vmem>>)
    %dma_wait3A_191 = arith.constant 0 : i32
    %dma_wait3A_192 = arith.constant 0 : i32
    %dma_wait3A_193 = arith.constant 0 : i32
    %dma_wait3A_194 = tpu.memref_slice %arg15[%dma_wait3A_192, %dma_wait3A_193] : memref<512x16xf32, #tpu.memory_space<vmem>> -> memref<128x16xf32, #tpu.memory_space<vmem>>
    %dma_wait3A_195 = arith.constant 0 : i32
    %dma_wait3A_196 = tpu.memref_slice %arg11[%dma_wait3A_191, %dma_wait3A_195] : memref<4x128xi32, #tpu.memory_space<vmem>> -> memref<1x128xi32, #tpu.memory_space<vmem>>
    %dma_wait3A_197 = tpu.memref_squeeze %dma_wait3A_196 : memref<1x128xi32, #tpu.memory_space<vmem>> -> memref<128xi32, #tpu.memory_space<vmem>>
    %dma_wait3A_198 = arith.constant 0 : i32
    %dma_wait3A_199 = arith.constant 0 : i32
    %dma_wait3A_200 = tpu.memref_slice %arg5[%dma_wait3A_198, %dma_wait3A_199] : memref<62500x16xf32, #tpu.memory_space<hbm>> -> memref<62500x16xf32, #tpu.memory_space<hbm>>
    tpu.wait_indirect_dma semaphore(%arg16 : memref<!tpu.dma_semaphore, #tpu.memory_space<semaphore_mem>>) src(%dma_wait3A_200 : memref<62500x16xf32, #tpu.memory_space<hbm>>) dst(%dma_wait3A_194 : memref<128x16xf32, #tpu.memory_space<vmem>>)
    %dma_wait3A_201 = arith.constant 1 : i32
    %dma_wait3A_202 = arith.constant 128 : i32
    %dma_wait3A_203 = arith.constant 0 : i32
    %dma_wait3A_204 = tpu.memref_slice %arg12[%dma_wait3A_202, %dma_wait3A_203] : memref<512x16xf32, #tpu.memory_space<vmem>> -> memref<128x16xf32, #tpu.memory_space<vmem>>
    %dma_wait3A_205 = arith.constant 0 : i32
    %dma_wait3A_206 = tpu.memref_slice %arg10[%dma_wait3A_201, %dma_wait3A_205] : memref<4x128xi32, #tpu.memory_space<vmem>> -> memref<1x128xi32, #tpu.memory_space<vmem>>
    %dma_wait3A_207 = tpu.memref_squeeze %dma_wait3A_206 : memref<1x128xi32, #tpu.memory_space<vmem>> -> memref<128xi32, #tpu.memory_space<vmem>>
    %dma_wait3A_208 = arith.constant 0 : i32
    %dma_wait3A_209 = arith.constant 0 : i32
    %dma_wait3A_210 = tpu.memref_slice %arg4[%dma_wait3A_208, %dma_wait3A_209] : memref<62500x16xf32, #tpu.memory_space<hbm>> -> memref<62500x16xf32, #tpu.memory_space<hbm>>
    tpu.wait_indirect_dma semaphore(%arg16 : memref<!tpu.dma_semaphore, #tpu.memory_space<semaphore_mem>>) src(%dma_wait3A_210 : memref<62500x16xf32, #tpu.memory_space<hbm>>) dst(%dma_wait3A_204 : memref<128x16xf32, #tpu.memory_space<vmem>>)
    %dma_wait3A_211 = arith.constant 1 : i32
    %dma_wait3A_212 = arith.constant 128 : i32
    %dma_wait3A_213 = arith.constant 0 : i32
    %dma_wait3A_214 = tpu.memref_slice %arg13[%dma_wait3A_212, %dma_wait3A_213] : memref<512x16xf32, #tpu.memory_space<vmem>> -> memref<128x16xf32, #tpu.memory_space<vmem>>
    %dma_wait3A_215 = arith.constant 0 : i32
    %dma_wait3A_216 = tpu.memref_slice %arg10[%dma_wait3A_211, %dma_wait3A_215] : memref<4x128xi32, #tpu.memory_space<vmem>> -> memref<1x128xi32, #tpu.memory_space<vmem>>
    %dma_wait3A_217 = tpu.memref_squeeze %dma_wait3A_216 : memref<1x128xi32, #tpu.memory_space<vmem>> -> memref<128xi32, #tpu.memory_space<vmem>>
    %dma_wait3A_218 = arith.constant 0 : i32
    %dma_wait3A_219 = arith.constant 0 : i32
    %dma_wait3A_220 = tpu.memref_slice %arg5[%dma_wait3A_218, %dma_wait3A_219] : memref<62500x16xf32, #tpu.memory_space<hbm>> -> memref<62500x16xf32, #tpu.memory_space<hbm>>
    tpu.wait_indirect_dma semaphore(%arg16 : memref<!tpu.dma_semaphore, #tpu.memory_space<semaphore_mem>>) src(%dma_wait3A_220 : memref<62500x16xf32, #tpu.memory_space<hbm>>) dst(%dma_wait3A_214 : memref<128x16xf32, #tpu.memory_space<vmem>>)
    %dma_wait3A_221 = arith.constant 1 : i32
    %dma_wait3A_222 = arith.constant 128 : i32
    %dma_wait3A_223 = arith.constant 0 : i32
    %dma_wait3A_224 = tpu.memref_slice %arg14[%dma_wait3A_222, %dma_wait3A_223] : memref<512x16xf32, #tpu.memory_space<vmem>> -> memref<128x16xf32, #tpu.memory_space<vmem>>
    %dma_wait3A_225 = arith.constant 0 : i32
    %dma_wait3A_226 = tpu.memref_slice %arg11[%dma_wait3A_221, %dma_wait3A_225] : memref<4x128xi32, #tpu.memory_space<vmem>> -> memref<1x128xi32, #tpu.memory_space<vmem>>
    %dma_wait3A_227 = tpu.memref_squeeze %dma_wait3A_226 : memref<1x128xi32, #tpu.memory_space<vmem>> -> memref<128xi32, #tpu.memory_space<vmem>>
    %dma_wait3A_228 = arith.constant 0 : i32
    %dma_wait3A_229 = arith.constant 0 : i32
    %dma_wait3A_230 = tpu.memref_slice %arg4[%dma_wait3A_228, %dma_wait3A_229] : memref<62500x16xf32, #tpu.memory_space<hbm>> -> memref<62500x16xf32, #tpu.memory_space<hbm>>
    tpu.wait_indirect_dma semaphore(%arg16 : memref<!tpu.dma_semaphore, #tpu.memory_space<semaphore_mem>>) src(%dma_wait3A_230 : memref<62500x16xf32, #tpu.memory_space<hbm>>) dst(%dma_wait3A_224 : memref<128x16xf32, #tpu.memory_space<vmem>>)
    %dma_wait3A_231 = arith.constant 1 : i32
    %dma_wait3A_232 = arith.constant 128 : i32
    %dma_wait3A_233 = arith.constant 0 : i32
    %dma_wait3A_234 = tpu.memref_slice %arg15[%dma_wait3A_232, %dma_wait3A_233] : memref<512x16xf32, #tpu.memory_space<vmem>> -> memref<128x16xf32, #tpu.memory_space<vmem>>
    %dma_wait3A_235 = arith.constant 0 : i32
    %dma_wait3A_236 = tpu.memref_slice %arg11[%dma_wait3A_231, %dma_wait3A_235] : memref<4x128xi32, #tpu.memory_space<vmem>> -> memref<1x128xi32, #tpu.memory_space<vmem>>
    %dma_wait3A_237 = tpu.memref_squeeze %dma_wait3A_236 : memref<1x128xi32, #tpu.memory_space<vmem>> -> memref<128xi32, #tpu.memory_space<vmem>>
    %dma_wait3A_238 = arith.constant 0 : i32
    %dma_wait3A_239 = arith.constant 0 : i32
    %dma_wait3A_240 = tpu.memref_slice %arg5[%dma_wait3A_238, %dma_wait3A_239] : memref<62500x16xf32, #tpu.memory_space<hbm>> -> memref<62500x16xf32, #tpu.memory_space<hbm>>
    tpu.wait_indirect_dma semaphore(%arg16 : memref<!tpu.dma_semaphore, #tpu.memory_space<semaphore_mem>>) src(%dma_wait3A_240 : memref<62500x16xf32, #tpu.memory_space<hbm>>) dst(%dma_wait3A_234 : memref<128x16xf32, #tpu.memory_space<vmem>>)
    %dma_wait3A_241 = arith.constant 2 : i32
    %dma_wait3A_242 = arith.constant 256 : i32
    %dma_wait3A_243 = arith.constant 0 : i32
    %dma_wait3A_244 = tpu.memref_slice %arg12[%dma_wait3A_242, %dma_wait3A_243] : memref<512x16xf32, #tpu.memory_space<vmem>> -> memref<128x16xf32, #tpu.memory_space<vmem>>
    %dma_wait3A_245 = arith.constant 0 : i32
    %dma_wait3A_246 = tpu.memref_slice %arg10[%dma_wait3A_241, %dma_wait3A_245] : memref<4x128xi32, #tpu.memory_space<vmem>> -> memref<1x128xi32, #tpu.memory_space<vmem>>
    %dma_wait3A_247 = tpu.memref_squeeze %dma_wait3A_246 : memref<1x128xi32, #tpu.memory_space<vmem>> -> memref<128xi32, #tpu.memory_space<vmem>>
    %dma_wait3A_248 = arith.constant 0 : i32
    %dma_wait3A_249 = arith.constant 0 : i32
    %dma_wait3A_250 = tpu.memref_slice %arg4[%dma_wait3A_248, %dma_wait3A_249] : memref<62500x16xf32, #tpu.memory_space<hbm>> -> memref<62500x16xf32, #tpu.memory_space<hbm>>
    tpu.wait_indirect_dma semaphore(%arg16 : memref<!tpu.dma_semaphore, #tpu.memory_space<semaphore_mem>>) src(%dma_wait3A_250 : memref<62500x16xf32, #tpu.memory_space<hbm>>) dst(%dma_wait3A_244 : memref<128x16xf32, #tpu.memory_space<vmem>>)
    %dma_wait3A_251 = arith.constant 2 : i32
    %dma_wait3A_252 = arith.constant 256 : i32
    %dma_wait3A_253 = arith.constant 0 : i32
    %dma_wait3A_254 = tpu.memref_slice %arg13[%dma_wait3A_252, %dma_wait3A_253] : memref<512x16xf32, #tpu.memory_space<vmem>> -> memref<128x16xf32, #tpu.memory_space<vmem>>
    %dma_wait3A_255 = arith.constant 0 : i32
    %dma_wait3A_256 = tpu.memref_slice %arg10[%dma_wait3A_251, %dma_wait3A_255] : memref<4x128xi32, #tpu.memory_space<vmem>> -> memref<1x128xi32, #tpu.memory_space<vmem>>
    %dma_wait3A_257 = tpu.memref_squeeze %dma_wait3A_256 : memref<1x128xi32, #tpu.memory_space<vmem>> -> memref<128xi32, #tpu.memory_space<vmem>>
    %dma_wait3A_258 = arith.constant 0 : i32
    %dma_wait3A_259 = arith.constant 0 : i32
    %dma_wait3A_260 = tpu.memref_slice %arg5[%dma_wait3A_258, %dma_wait3A_259] : memref<62500x16xf32, #tpu.memory_space<hbm>> -> memref<62500x16xf32, #tpu.memory_space<hbm>>
    tpu.wait_indirect_dma semaphore(%arg16 : memref<!tpu.dma_semaphore, #tpu.memory_space<semaphore_mem>>) src(%dma_wait3A_260 : memref<62500x16xf32, #tpu.memory_space<hbm>>) dst(%dma_wait3A_254 : memref<128x16xf32, #tpu.memory_space<vmem>>)
    %dma_wait3A_261 = arith.constant 2 : i32
    %dma_wait3A_262 = arith.constant 256 : i32
    %dma_wait3A_263 = arith.constant 0 : i32
    %dma_wait3A_264 = tpu.memref_slice %arg14[%dma_wait3A_262, %dma_wait3A_263] : memref<512x16xf32, #tpu.memory_space<vmem>> -> memref<128x16xf32, #tpu.memory_space<vmem>>
    %dma_wait3A_265 = arith.constant 0 : i32
    %dma_wait3A_266 = tpu.memref_slice %arg11[%dma_wait3A_261, %dma_wait3A_265] : memref<4x128xi32, #tpu.memory_space<vmem>> -> memref<1x128xi32, #tpu.memory_space<vmem>>
    %dma_wait3A_267 = tpu.memref_squeeze %dma_wait3A_266 : memref<1x128xi32, #tpu.memory_space<vmem>> -> memref<128xi32, #tpu.memory_space<vmem>>
    %dma_wait3A_268 = arith.constant 0 : i32
    %dma_wait3A_269 = arith.constant 0 : i32
    %dma_wait3A_270 = tpu.memref_slice %arg4[%dma_wait3A_268, %dma_wait3A_269] : memref<62500x16xf32, #tpu.memory_space<hbm>> -> memref<62500x16xf32, #tpu.memory_space<hbm>>
    tpu.wait_indirect_dma semaphore(%arg16 : memref<!tpu.dma_semaphore, #tpu.memory_space<semaphore_mem>>) src(%dma_wait3A_270 : memref<62500x16xf32, #tpu.memory_space<hbm>>) dst(%dma_wait3A_264 : memref<128x16xf32, #tpu.memory_space<vmem>>)
    %dma_wait3A_271 = arith.constant 2 : i32
    %dma_wait3A_272 = arith.constant 256 : i32
    %dma_wait3A_273 = arith.constant 0 : i32
    %dma_wait3A_274 = tpu.memref_slice %arg15[%dma_wait3A_272, %dma_wait3A_273] : memref<512x16xf32, #tpu.memory_space<vmem>> -> memref<128x16xf32, #tpu.memory_space<vmem>>
    %dma_wait3A_275 = arith.constant 0 : i32
    %dma_wait3A_276 = tpu.memref_slice %arg11[%dma_wait3A_271, %dma_wait3A_275] : memref<4x128xi32, #tpu.memory_space<vmem>> -> memref<1x128xi32, #tpu.memory_space<vmem>>
    %dma_wait3A_277 = tpu.memref_squeeze %dma_wait3A_276 : memref<1x128xi32, #tpu.memory_space<vmem>> -> memref<128xi32, #tpu.memory_space<vmem>>
    %dma_wait3A_278 = arith.constant 0 : i32
    %dma_wait3A_279 = arith.constant 0 : i32
    %dma_wait3A_280 = tpu.memref_slice %arg5[%dma_wait3A_278, %dma_wait3A_279] : memref<62500x16xf32, #tpu.memory_space<hbm>> -> memref<62500x16xf32, #tpu.memory_space<hbm>>
    tpu.wait_indirect_dma semaphore(%arg16 : memref<!tpu.dma_semaphore, #tpu.memory_space<semaphore_mem>>) src(%dma_wait3A_280 : memref<62500x16xf32, #tpu.memory_space<hbm>>) dst(%dma_wait3A_274 : memref<128x16xf32, #tpu.memory_space<vmem>>)
    %dma_wait3A_281 = arith.constant 3 : i32
    %dma_wait3A_282 = arith.constant 384 : i32
    %dma_wait3A_283 = arith.constant 0 : i32
    %dma_wait3A_284 = tpu.memref_slice %arg12[%dma_wait3A_282, %dma_wait3A_283] : memref<512x16xf32, #tpu.memory_space<vmem>> -> memref<128x16xf32, #tpu.memory_space<vmem>>
    %dma_wait3A_285 = arith.constant 0 : i32
    %dma_wait3A_286 = tpu.memref_slice %arg10[%dma_wait3A_281, %dma_wait3A_285] : memref<4x128xi32, #tpu.memory_space<vmem>> -> memref<1x128xi32, #tpu.memory_space<vmem>>
    %dma_wait3A_287 = tpu.memref_squeeze %dma_wait3A_286 : memref<1x128xi32, #tpu.memory_space<vmem>> -> memref<128xi32, #tpu.memory_space<vmem>>
    %dma_wait3A_288 = arith.constant 0 : i32
    %dma_wait3A_289 = arith.constant 0 : i32
    %dma_wait3A_290 = tpu.memref_slice %arg4[%dma_wait3A_288, %dma_wait3A_289] : memref<62500x16xf32, #tpu.memory_space<hbm>> -> memref<62500x16xf32, #tpu.memory_space<hbm>>
    tpu.wait_indirect_dma semaphore(%arg16 : memref<!tpu.dma_semaphore, #tpu.memory_space<semaphore_mem>>) src(%dma_wait3A_290 : memref<62500x16xf32, #tpu.memory_space<hbm>>) dst(%dma_wait3A_284 : memref<128x16xf32, #tpu.memory_space<vmem>>)
    %dma_wait3A_291 = arith.constant 3 : i32
    %dma_wait3A_292 = arith.constant 384 : i32
    %dma_wait3A_293 = arith.constant 0 : i32
    %dma_wait3A_294 = tpu.memref_slice %arg13[%dma_wait3A_292, %dma_wait3A_293] : memref<512x16xf32, #tpu.memory_space<vmem>> -> memref<128x16xf32, #tpu.memory_space<vmem>>
    %dma_wait3A_295 = arith.constant 0 : i32
    %dma_wait3A_296 = tpu.memref_slice %arg10[%dma_wait3A_291, %dma_wait3A_295] : memref<4x128xi32, #tpu.memory_space<vmem>> -> memref<1x128xi32, #tpu.memory_space<vmem>>
    %dma_wait3A_297 = tpu.memref_squeeze %dma_wait3A_296 : memref<1x128xi32, #tpu.memory_space<vmem>> -> memref<128xi32, #tpu.memory_space<vmem>>
    %dma_wait3A_298 = arith.constant 0 : i32
    %dma_wait3A_299 = arith.constant 0 : i32
    %dma_wait3A_300 = tpu.memref_slice %arg5[%dma_wait3A_298, %dma_wait3A_299] : memref<62500x16xf32, #tpu.memory_space<hbm>> -> memref<62500x16xf32, #tpu.memory_space<hbm>>
    tpu.wait_indirect_dma semaphore(%arg16 : memref<!tpu.dma_semaphore, #tpu.memory_space<semaphore_mem>>) src(%dma_wait3A_300 : memref<62500x16xf32, #tpu.memory_space<hbm>>) dst(%dma_wait3A_294 : memref<128x16xf32, #tpu.memory_space<vmem>>)
    %dma_wait3A_301 = arith.constant 3 : i32
    %dma_wait3A_302 = arith.constant 384 : i32
    %dma_wait3A_303 = arith.constant 0 : i32
    %dma_wait3A_304 = tpu.memref_slice %arg14[%dma_wait3A_302, %dma_wait3A_303] : memref<512x16xf32, #tpu.memory_space<vmem>> -> memref<128x16xf32, #tpu.memory_space<vmem>>
    %dma_wait3A_305 = arith.constant 0 : i32
    %dma_wait3A_306 = tpu.memref_slice %arg11[%dma_wait3A_301, %dma_wait3A_305] : memref<4x128xi32, #tpu.memory_space<vmem>> -> memref<1x128xi32, #tpu.memory_space<vmem>>
    %dma_wait3A_307 = tpu.memref_squeeze %dma_wait3A_306 : memref<1x128xi32, #tpu.memory_space<vmem>> -> memref<128xi32, #tpu.memory_space<vmem>>
    %dma_wait3A_308 = arith.constant 0 : i32
    %dma_wait3A_309 = arith.constant 0 : i32
    %dma_wait3A_310 = tpu.memref_slice %arg4[%dma_wait3A_308, %dma_wait3A_309] : memref<62500x16xf32, #tpu.memory_space<hbm>> -> memref<62500x16xf32, #tpu.memory_space<hbm>>
    tpu.wait_indirect_dma semaphore(%arg16 : memref<!tpu.dma_semaphore, #tpu.memory_space<semaphore_mem>>) src(%dma_wait3A_310 : memref<62500x16xf32, #tpu.memory_space<hbm>>) dst(%dma_wait3A_304 : memref<128x16xf32, #tpu.memory_space<vmem>>)
    %dma_wait3A_311 = arith.constant 3 : i32
    %dma_wait3A_312 = arith.constant 384 : i32
    %dma_wait3A_313 = arith.constant 0 : i32
    %dma_wait3A_314 = tpu.memref_slice %arg15[%dma_wait3A_312, %dma_wait3A_313] : memref<512x16xf32, #tpu.memory_space<vmem>> -> memref<128x16xf32, #tpu.memory_space<vmem>>
    %dma_wait3A_315 = arith.constant 0 : i32
    %dma_wait3A_316 = tpu.memref_slice %arg11[%dma_wait3A_311, %dma_wait3A_315] : memref<4x128xi32, #tpu.memory_space<vmem>> -> memref<1x128xi32, #tpu.memory_space<vmem>>
    %dma_wait3A_317 = tpu.memref_squeeze %dma_wait3A_316 : memref<1x128xi32, #tpu.memory_space<vmem>> -> memref<128xi32, #tpu.memory_space<vmem>>
    %dma_wait3A_318 = arith.constant 0 : i32
    %dma_wait3A_319 = arith.constant 0 : i32
    %dma_wait3A_320 = tpu.memref_slice %arg5[%dma_wait3A_318, %dma_wait3A_319] : memref<62500x16xf32, #tpu.memory_space<hbm>> -> memref<62500x16xf32, #tpu.memory_space<hbm>>
    tpu.wait_indirect_dma semaphore(%arg16 : memref<!tpu.dma_semaphore, #tpu.memory_space<semaphore_mem>>) src(%dma_wait3A_320 : memref<62500x16xf32, #tpu.memory_space<hbm>>) dst(%dma_wait3A_314 : memref<128x16xf32, #tpu.memory_space<vmem>>)
    "tpu.region"() ({
      %run_scoped3A = tpu.sem_alloc : memref<!tpu.dma_semaphore, #tpu.memory_space<semaphore_mem>>
      %dma_start3A_321 = arith.constant 0 : i32
      %dma_start3A_322 = tpu.memref_slice %arg6[%mul3A_2, %dma_start3A_321] : memref<16384x16xf32, #tpu.memory_space<hbm>> -> memref<512x16xf32, #tpu.memory_space<hbm>>
      %dma_start3A_323 = arith.constant 0 : i32
      %dma_start3A_324 = tpu.memref_slice %arg6[%mul3A_2, %dma_start3A_323] : memref<16384x16xf32, #tpu.memory_space<hbm>> -> memref<512x16xf32, #tpu.memory_space<hbm>>
      tpu.enqueue_dma source(%arg12 : memref<512x16xf32, #tpu.memory_space<vmem>>) target(%dma_start3A_324 : memref<512x16xf32, #tpu.memory_space<hbm>>) target_semaphore(%run_scoped3A : memref<!tpu.dma_semaphore, #tpu.memory_space<semaphore_mem>>)
      %dma_wait3A_325 = arith.constant 0 : i32
      %dma_wait3A_326 = tpu.memref_slice %arg6[%mul3A_2, %dma_wait3A_325] : memref<16384x16xf32, #tpu.memory_space<hbm>> -> memref<512x16xf32, #tpu.memory_space<hbm>>
      %dma_wait3A_327 = arith.constant 0 : i32
      %dma_wait3A_328 = tpu.memref_slice %arg6[%mul3A_2, %dma_wait3A_327] : memref<16384x16xf32, #tpu.memory_space<hbm>> -> memref<512x16xf32, #tpu.memory_space<hbm>>
      tpu.wait_dma2 semaphore(%run_scoped3A : memref<!tpu.dma_semaphore, #tpu.memory_space<semaphore_mem>>) src(%arg12 : memref<512x16xf32, #tpu.memory_space<vmem>>) dst(%dma_wait3A_328 : memref<512x16xf32, #tpu.memory_space<hbm>>)
      tpu.yield
    }) : () -> ()
    "tpu.region"() ({
      %run_scoped3A = tpu.sem_alloc : memref<!tpu.dma_semaphore, #tpu.memory_space<semaphore_mem>>
      %dma_start3A_321 = arith.constant 0 : i32
      %dma_start3A_322 = tpu.memref_slice %arg7[%mul3A_2, %dma_start3A_321] : memref<16384x16xf32, #tpu.memory_space<hbm>> -> memref<512x16xf32, #tpu.memory_space<hbm>>
      %dma_start3A_323 = arith.constant 0 : i32
      %dma_start3A_324 = tpu.memref_slice %arg7[%mul3A_2, %dma_start3A_323] : memref<16384x16xf32, #tpu.memory_space<hbm>> -> memref<512x16xf32, #tpu.memory_space<hbm>>
      tpu.enqueue_dma source(%arg13 : memref<512x16xf32, #tpu.memory_space<vmem>>) target(%dma_start3A_324 : memref<512x16xf32, #tpu.memory_space<hbm>>) target_semaphore(%run_scoped3A : memref<!tpu.dma_semaphore, #tpu.memory_space<semaphore_mem>>)
      %dma_wait3A_325 = arith.constant 0 : i32
      %dma_wait3A_326 = tpu.memref_slice %arg7[%mul3A_2, %dma_wait3A_325] : memref<16384x16xf32, #tpu.memory_space<hbm>> -> memref<512x16xf32, #tpu.memory_space<hbm>>
      %dma_wait3A_327 = arith.constant 0 : i32
      %dma_wait3A_328 = tpu.memref_slice %arg7[%mul3A_2, %dma_wait3A_327] : memref<16384x16xf32, #tpu.memory_space<hbm>> -> memref<512x16xf32, #tpu.memory_space<hbm>>
      tpu.wait_dma2 semaphore(%run_scoped3A : memref<!tpu.dma_semaphore, #tpu.memory_space<semaphore_mem>>) src(%arg13 : memref<512x16xf32, #tpu.memory_space<vmem>>) dst(%dma_wait3A_328 : memref<512x16xf32, #tpu.memory_space<hbm>>)
      tpu.yield
    }) : () -> ()
    "tpu.region"() ({
      %run_scoped3A = tpu.sem_alloc : memref<!tpu.dma_semaphore, #tpu.memory_space<semaphore_mem>>
      %dma_start3A_321 = arith.constant 0 : i32
      %dma_start3A_322 = tpu.memref_slice %arg8[%mul3A_2, %dma_start3A_321] : memref<16384x16xf32, #tpu.memory_space<hbm>> -> memref<512x16xf32, #tpu.memory_space<hbm>>
      %dma_start3A_323 = arith.constant 0 : i32
      %dma_start3A_324 = tpu.memref_slice %arg8[%mul3A_2, %dma_start3A_323] : memref<16384x16xf32, #tpu.memory_space<hbm>> -> memref<512x16xf32, #tpu.memory_space<hbm>>
      tpu.enqueue_dma source(%arg14 : memref<512x16xf32, #tpu.memory_space<vmem>>) target(%dma_start3A_324 : memref<512x16xf32, #tpu.memory_space<hbm>>) target_semaphore(%run_scoped3A : memref<!tpu.dma_semaphore, #tpu.memory_space<semaphore_mem>>)
      %dma_wait3A_325 = arith.constant 0 : i32
      %dma_wait3A_326 = tpu.memref_slice %arg8[%mul3A_2, %dma_wait3A_325] : memref<16384x16xf32, #tpu.memory_space<hbm>> -> memref<512x16xf32, #tpu.memory_space<hbm>>
      %dma_wait3A_327 = arith.constant 0 : i32
      %dma_wait3A_328 = tpu.memref_slice %arg8[%mul3A_2, %dma_wait3A_327] : memref<16384x16xf32, #tpu.memory_space<hbm>> -> memref<512x16xf32, #tpu.memory_space<hbm>>
      tpu.wait_dma2 semaphore(%run_scoped3A : memref<!tpu.dma_semaphore, #tpu.memory_space<semaphore_mem>>) src(%arg14 : memref<512x16xf32, #tpu.memory_space<vmem>>) dst(%dma_wait3A_328 : memref<512x16xf32, #tpu.memory_space<hbm>>)
      tpu.yield
    }) : () -> ()
    "tpu.region"() ({
      %run_scoped3A = tpu.sem_alloc : memref<!tpu.dma_semaphore, #tpu.memory_space<semaphore_mem>>
      %dma_start3A_321 = arith.constant 0 : i32
      %dma_start3A_322 = tpu.memref_slice %arg9[%mul3A_2, %dma_start3A_321] : memref<16384x16xf32, #tpu.memory_space<hbm>> -> memref<512x16xf32, #tpu.memory_space<hbm>>
      %dma_start3A_323 = arith.constant 0 : i32
      %dma_start3A_324 = tpu.memref_slice %arg9[%mul3A_2, %dma_start3A_323] : memref<16384x16xf32, #tpu.memory_space<hbm>> -> memref<512x16xf32, #tpu.memory_space<hbm>>
      tpu.enqueue_dma source(%arg15 : memref<512x16xf32, #tpu.memory_space<vmem>>) target(%dma_start3A_324 : memref<512x16xf32, #tpu.memory_space<hbm>>) target_semaphore(%run_scoped3A : memref<!tpu.dma_semaphore, #tpu.memory_space<semaphore_mem>>)
      %dma_wait3A_325 = arith.constant 0 : i32
      %dma_wait3A_326 = tpu.memref_slice %arg9[%mul3A_2, %dma_wait3A_325] : memref<16384x16xf32, #tpu.memory_space<hbm>> -> memref<512x16xf32, #tpu.memory_space<hbm>>
      %dma_wait3A_327 = arith.constant 0 : i32
      %dma_wait3A_328 = tpu.memref_slice %arg9[%mul3A_2, %dma_wait3A_327] : memref<16384x16xf32, #tpu.memory_space<hbm>> -> memref<512x16xf32, #tpu.memory_space<hbm>>
      tpu.wait_dma2 semaphore(%run_scoped3A : memref<!tpu.dma_semaphore, #tpu.memory_space<semaphore_mem>>) src(%arg15 : memref<512x16xf32, #tpu.memory_space<vmem>>) dst(%dma_wait3A_328 : memref<512x16xf32, #tpu.memory_space<hbm>>)
      tpu.yield
    }) : () -> ()
    return
  }
}

#map = affine_map<(d0, d1) -> (0, 0, 0)>
#map1 = affine_map<(d0, d1) -> (0, 0)>
module attributes {stable_mosaic.version = 14 : i64} {
  func.func @gath(%arg0: i32, %arg1: i32, %arg2: memref<32x4x128xi32, #tpu.memory_space<hbm>>, %arg3: memref<32x4x128xi32, #tpu.memory_space<hbm>>, %arg4: memref<507904x128xf32, #tpu.memory_space<hbm>>, %arg5: memref<16384x128xf32, #tpu.memory_space<hbm>>, %arg6: memref<16384x128xf32, #tpu.memory_space<hbm>>, %arg7: memref<4x128xi32, #tpu.memory_space<vmem>>, %arg8: memref<4x128xi32, #tpu.memory_space<vmem>>, %arg9: memref<512x128xf32, #tpu.memory_space<vmem>>, %arg10: memref<!tpu.dma_semaphore, #tpu.memory_space<semaphore_mem>>) attributes {dimension_semantics = [#tpu.dimension_semantics<core_parallel>, #tpu.dimension_semantics<subcore_parallel>], iteration_bounds = array<i64: 2, 16>, scalar_prefetch = 0 : i64, scratch_operands = 4 : i64, tpu.core_type = #tpu.core_type<sc_vector_subcore>, window_params = [{transform_indices = #map}, {transform_indices = #map}, {transform_indices = #map1}, {transform_indices = #map1}, {transform_indices = #map1}]} {
    %mul3A = arith.constant 2 : i32
    %mul3A_0 = arith.muli %arg1, %mul3A : i32
    %add3A = arith.addi %mul3A_0, %arg0 : i32
    %mul3A_1 = arith.constant 512 : i32
    %mul3A_2 = arith.muli %add3A, %mul3A_1 : i32
    "tpu.region"() ({
      %run_scoped3A = tpu.sem_alloc : memref<!tpu.dma_semaphore, #tpu.memory_space<semaphore_mem>>
      %dma_start3A_161 = arith.constant 0 : i32
      %dma_start3A_162 = arith.constant 0 : i32
      %dma_start3A_163 = tpu.memref_slice %arg2[%add3A, %dma_start3A_161, %dma_start3A_162] : memref<32x4x128xi32, #tpu.memory_space<hbm>> -> memref<1x4x128xi32, #tpu.memory_space<hbm>>
      %dma_start3A_164 = tpu.memref_squeeze %dma_start3A_163 : memref<1x4x128xi32, #tpu.memory_space<hbm>> -> memref<4x128xi32, #tpu.memory_space<hbm>>
      %dma_start3A_165 = arith.constant 0 : i32
      %dma_start3A_166 = arith.constant 0 : i32
      %dma_start3A_167 = tpu.memref_slice %arg2[%add3A, %dma_start3A_165, %dma_start3A_166] : memref<32x4x128xi32, #tpu.memory_space<hbm>> -> memref<1x4x128xi32, #tpu.memory_space<hbm>>
      %dma_start3A_168 = tpu.memref_squeeze %dma_start3A_167 : memref<1x4x128xi32, #tpu.memory_space<hbm>> -> memref<4x128xi32, #tpu.memory_space<hbm>>
      tpu.enqueue_dma source(%dma_start3A_168 : memref<4x128xi32, #tpu.memory_space<hbm>>) target(%arg7 : memref<4x128xi32, #tpu.memory_space<vmem>>) target_semaphore(%run_scoped3A : memref<!tpu.dma_semaphore, #tpu.memory_space<semaphore_mem>>)
      %dma_wait3A_169 = arith.constant 0 : i32
      %dma_wait3A_170 = arith.constant 0 : i32
      %dma_wait3A_171 = tpu.memref_slice %arg2[%add3A, %dma_wait3A_169, %dma_wait3A_170] : memref<32x4x128xi32, #tpu.memory_space<hbm>> -> memref<1x4x128xi32, #tpu.memory_space<hbm>>
      %dma_wait3A_172 = tpu.memref_squeeze %dma_wait3A_171 : memref<1x4x128xi32, #tpu.memory_space<hbm>> -> memref<4x128xi32, #tpu.memory_space<hbm>>
      %dma_wait3A_173 = arith.constant 0 : i32
      %dma_wait3A_174 = arith.constant 0 : i32
      %dma_wait3A_175 = tpu.memref_slice %arg2[%add3A, %dma_wait3A_173, %dma_wait3A_174] : memref<32x4x128xi32, #tpu.memory_space<hbm>> -> memref<1x4x128xi32, #tpu.memory_space<hbm>>
      %dma_wait3A_176 = tpu.memref_squeeze %dma_wait3A_175 : memref<1x4x128xi32, #tpu.memory_space<hbm>> -> memref<4x128xi32, #tpu.memory_space<hbm>>
      tpu.wait_dma2 semaphore(%run_scoped3A : memref<!tpu.dma_semaphore, #tpu.memory_space<semaphore_mem>>) src(%dma_wait3A_176 : memref<4x128xi32, #tpu.memory_space<hbm>>) dst(%arg7 : memref<4x128xi32, #tpu.memory_space<vmem>>)
      tpu.yield
    }) : () -> ()
    "tpu.region"() ({
      %run_scoped3A = tpu.sem_alloc : memref<!tpu.dma_semaphore, #tpu.memory_space<semaphore_mem>>
      %dma_start3A_161 = arith.constant 0 : i32
      %dma_start3A_162 = arith.constant 0 : i32
      %dma_start3A_163 = tpu.memref_slice %arg3[%add3A, %dma_start3A_161, %dma_start3A_162] : memref<32x4x128xi32, #tpu.memory_space<hbm>> -> memref<1x4x128xi32, #tpu.memory_space<hbm>>
      %dma_start3A_164 = tpu.memref_squeeze %dma_start3A_163 : memref<1x4x128xi32, #tpu.memory_space<hbm>> -> memref<4x128xi32, #tpu.memory_space<hbm>>
      %dma_start3A_165 = arith.constant 0 : i32
      %dma_start3A_166 = arith.constant 0 : i32
      %dma_start3A_167 = tpu.memref_slice %arg3[%add3A, %dma_start3A_165, %dma_start3A_166] : memref<32x4x128xi32, #tpu.memory_space<hbm>> -> memref<1x4x128xi32, #tpu.memory_space<hbm>>
      %dma_start3A_168 = tpu.memref_squeeze %dma_start3A_167 : memref<1x4x128xi32, #tpu.memory_space<hbm>> -> memref<4x128xi32, #tpu.memory_space<hbm>>
      tpu.enqueue_dma source(%dma_start3A_168 : memref<4x128xi32, #tpu.memory_space<hbm>>) target(%arg8 : memref<4x128xi32, #tpu.memory_space<vmem>>) target_semaphore(%run_scoped3A : memref<!tpu.dma_semaphore, #tpu.memory_space<semaphore_mem>>)
      %dma_wait3A_169 = arith.constant 0 : i32
      %dma_wait3A_170 = arith.constant 0 : i32
      %dma_wait3A_171 = tpu.memref_slice %arg3[%add3A, %dma_wait3A_169, %dma_wait3A_170] : memref<32x4x128xi32, #tpu.memory_space<hbm>> -> memref<1x4x128xi32, #tpu.memory_space<hbm>>
      %dma_wait3A_172 = tpu.memref_squeeze %dma_wait3A_171 : memref<1x4x128xi32, #tpu.memory_space<hbm>> -> memref<4x128xi32, #tpu.memory_space<hbm>>
      %dma_wait3A_173 = arith.constant 0 : i32
      %dma_wait3A_174 = arith.constant 0 : i32
      %dma_wait3A_175 = tpu.memref_slice %arg3[%add3A, %dma_wait3A_173, %dma_wait3A_174] : memref<32x4x128xi32, #tpu.memory_space<hbm>> -> memref<1x4x128xi32, #tpu.memory_space<hbm>>
      %dma_wait3A_176 = tpu.memref_squeeze %dma_wait3A_175 : memref<1x4x128xi32, #tpu.memory_space<hbm>> -> memref<4x128xi32, #tpu.memory_space<hbm>>
      tpu.wait_dma2 semaphore(%run_scoped3A : memref<!tpu.dma_semaphore, #tpu.memory_space<semaphore_mem>>) src(%dma_wait3A_176 : memref<4x128xi32, #tpu.memory_space<hbm>>) dst(%arg8 : memref<4x128xi32, #tpu.memory_space<vmem>>)
      tpu.yield
    }) : () -> ()
    %dma_start3A = arith.constant 0 : i32
    %dma_start3A_3 = arith.constant 0 : i32
    %dma_start3A_4 = arith.constant 0 : i32
    %dma_start3A_5 = tpu.memref_slice %arg9[%dma_start3A_3, %dma_start3A_4] : memref<512x128xf32, #tpu.memory_space<vmem>> -> memref<128x128xf32, #tpu.memory_space<vmem>>
    %dma_start3A_6 = arith.constant 0 : i32
    %dma_start3A_7 = tpu.memref_slice %arg7[%dma_start3A, %dma_start3A_6] : memref<4x128xi32, #tpu.memory_space<vmem>> -> memref<1x128xi32, #tpu.memory_space<vmem>>
    %dma_start3A_8 = tpu.memref_squeeze %dma_start3A_7 : memref<1x128xi32, #tpu.memory_space<vmem>> -> memref<128xi32, #tpu.memory_space<vmem>>
    %dma_start3A_9 = arith.constant 0 : i32
    %dma_start3A_10 = arith.constant 0 : i32
    %dma_start3A_11 = tpu.memref_slice %arg4[%dma_start3A_9, %dma_start3A_10] : memref<507904x128xf32, #tpu.memory_space<hbm>> -> memref<507904x128xf32, #tpu.memory_space<hbm>>
    tpu.enqueue_indirect_dma source(%dma_start3A_11 : memref<507904x128xf32, #tpu.memory_space<hbm>>) target(%dma_start3A_5 : memref<128x128xf32, #tpu.memory_space<vmem>>) offsets(%dma_start3A_8 : memref<128xi32, #tpu.memory_space<vmem>>) semaphore(%arg10 : memref<!tpu.dma_semaphore, #tpu.memory_space<semaphore_mem>>)
    %dma_start3A_12 = arith.constant 1 : i32
    %dma_start3A_13 = arith.constant 128 : i32
    %dma_start3A_14 = arith.constant 0 : i32
    %dma_start3A_15 = tpu.memref_slice %arg9[%dma_start3A_13, %dma_start3A_14] : memref<512x128xf32, #tpu.memory_space<vmem>> -> memref<128x128xf32, #tpu.memory_space<vmem>>
    %dma_start3A_16 = arith.constant 0 : i32
    %dma_start3A_17 = tpu.memref_slice %arg7[%dma_start3A_12, %dma_start3A_16] : memref<4x128xi32, #tpu.memory_space<vmem>> -> memref<1x128xi32, #tpu.memory_space<vmem>>
    %dma_start3A_18 = tpu.memref_squeeze %dma_start3A_17 : memref<1x128xi32, #tpu.memory_space<vmem>> -> memref<128xi32, #tpu.memory_space<vmem>>
    %dma_start3A_19 = arith.constant 0 : i32
    %dma_start3A_20 = arith.constant 0 : i32
    %dma_start3A_21 = tpu.memref_slice %arg4[%dma_start3A_19, %dma_start3A_20] : memref<507904x128xf32, #tpu.memory_space<hbm>> -> memref<507904x128xf32, #tpu.memory_space<hbm>>
    tpu.enqueue_indirect_dma source(%dma_start3A_21 : memref<507904x128xf32, #tpu.memory_space<hbm>>) target(%dma_start3A_15 : memref<128x128xf32, #tpu.memory_space<vmem>>) offsets(%dma_start3A_18 : memref<128xi32, #tpu.memory_space<vmem>>) semaphore(%arg10 : memref<!tpu.dma_semaphore, #tpu.memory_space<semaphore_mem>>)
    %dma_start3A_22 = arith.constant 2 : i32
    %dma_start3A_23 = arith.constant 256 : i32
    %dma_start3A_24 = arith.constant 0 : i32
    %dma_start3A_25 = tpu.memref_slice %arg9[%dma_start3A_23, %dma_start3A_24] : memref<512x128xf32, #tpu.memory_space<vmem>> -> memref<128x128xf32, #tpu.memory_space<vmem>>
    %dma_start3A_26 = arith.constant 0 : i32
    %dma_start3A_27 = tpu.memref_slice %arg7[%dma_start3A_22, %dma_start3A_26] : memref<4x128xi32, #tpu.memory_space<vmem>> -> memref<1x128xi32, #tpu.memory_space<vmem>>
    %dma_start3A_28 = tpu.memref_squeeze %dma_start3A_27 : memref<1x128xi32, #tpu.memory_space<vmem>> -> memref<128xi32, #tpu.memory_space<vmem>>
    %dma_start3A_29 = arith.constant 0 : i32
    %dma_start3A_30 = arith.constant 0 : i32
    %dma_start3A_31 = tpu.memref_slice %arg4[%dma_start3A_29, %dma_start3A_30] : memref<507904x128xf32, #tpu.memory_space<hbm>> -> memref<507904x128xf32, #tpu.memory_space<hbm>>
    tpu.enqueue_indirect_dma source(%dma_start3A_31 : memref<507904x128xf32, #tpu.memory_space<hbm>>) target(%dma_start3A_25 : memref<128x128xf32, #tpu.memory_space<vmem>>) offsets(%dma_start3A_28 : memref<128xi32, #tpu.memory_space<vmem>>) semaphore(%arg10 : memref<!tpu.dma_semaphore, #tpu.memory_space<semaphore_mem>>)
    %dma_start3A_32 = arith.constant 3 : i32
    %dma_start3A_33 = arith.constant 384 : i32
    %dma_start3A_34 = arith.constant 0 : i32
    %dma_start3A_35 = tpu.memref_slice %arg9[%dma_start3A_33, %dma_start3A_34] : memref<512x128xf32, #tpu.memory_space<vmem>> -> memref<128x128xf32, #tpu.memory_space<vmem>>
    %dma_start3A_36 = arith.constant 0 : i32
    %dma_start3A_37 = tpu.memref_slice %arg7[%dma_start3A_32, %dma_start3A_36] : memref<4x128xi32, #tpu.memory_space<vmem>> -> memref<1x128xi32, #tpu.memory_space<vmem>>
    %dma_start3A_38 = tpu.memref_squeeze %dma_start3A_37 : memref<1x128xi32, #tpu.memory_space<vmem>> -> memref<128xi32, #tpu.memory_space<vmem>>
    %dma_start3A_39 = arith.constant 0 : i32
    %dma_start3A_40 = arith.constant 0 : i32
    %dma_start3A_41 = tpu.memref_slice %arg4[%dma_start3A_39, %dma_start3A_40] : memref<507904x128xf32, #tpu.memory_space<hbm>> -> memref<507904x128xf32, #tpu.memory_space<hbm>>
    tpu.enqueue_indirect_dma source(%dma_start3A_41 : memref<507904x128xf32, #tpu.memory_space<hbm>>) target(%dma_start3A_35 : memref<128x128xf32, #tpu.memory_space<vmem>>) offsets(%dma_start3A_38 : memref<128xi32, #tpu.memory_space<vmem>>) semaphore(%arg10 : memref<!tpu.dma_semaphore, #tpu.memory_space<semaphore_mem>>)
    %dma_wait3A = arith.constant 0 : i32
    %dma_wait3A_42 = arith.constant 0 : i32
    %dma_wait3A_43 = arith.constant 0 : i32
    %dma_wait3A_44 = tpu.memref_slice %arg9[%dma_wait3A_42, %dma_wait3A_43] : memref<512x128xf32, #tpu.memory_space<vmem>> -> memref<128x128xf32, #tpu.memory_space<vmem>>
    %dma_wait3A_45 = arith.constant 0 : i32
    %dma_wait3A_46 = tpu.memref_slice %arg7[%dma_wait3A, %dma_wait3A_45] : memref<4x128xi32, #tpu.memory_space<vmem>> -> memref<1x128xi32, #tpu.memory_space<vmem>>
    %dma_wait3A_47 = tpu.memref_squeeze %dma_wait3A_46 : memref<1x128xi32, #tpu.memory_space<vmem>> -> memref<128xi32, #tpu.memory_space<vmem>>
    %dma_wait3A_48 = arith.constant 0 : i32
    %dma_wait3A_49 = arith.constant 0 : i32
    %dma_wait3A_50 = tpu.memref_slice %arg4[%dma_wait3A_48, %dma_wait3A_49] : memref<507904x128xf32, #tpu.memory_space<hbm>> -> memref<507904x128xf32, #tpu.memory_space<hbm>>
    tpu.wait_indirect_dma semaphore(%arg10 : memref<!tpu.dma_semaphore, #tpu.memory_space<semaphore_mem>>) src(%dma_wait3A_50 : memref<507904x128xf32, #tpu.memory_space<hbm>>) dst(%dma_wait3A_44 : memref<128x128xf32, #tpu.memory_space<vmem>>)
    %dma_wait3A_51 = arith.constant 1 : i32
    %dma_wait3A_52 = arith.constant 128 : i32
    %dma_wait3A_53 = arith.constant 0 : i32
    %dma_wait3A_54 = tpu.memref_slice %arg9[%dma_wait3A_52, %dma_wait3A_53] : memref<512x128xf32, #tpu.memory_space<vmem>> -> memref<128x128xf32, #tpu.memory_space<vmem>>
    %dma_wait3A_55 = arith.constant 0 : i32
    %dma_wait3A_56 = tpu.memref_slice %arg7[%dma_wait3A_51, %dma_wait3A_55] : memref<4x128xi32, #tpu.memory_space<vmem>> -> memref<1x128xi32, #tpu.memory_space<vmem>>
    %dma_wait3A_57 = tpu.memref_squeeze %dma_wait3A_56 : memref<1x128xi32, #tpu.memory_space<vmem>> -> memref<128xi32, #tpu.memory_space<vmem>>
    %dma_wait3A_58 = arith.constant 0 : i32
    %dma_wait3A_59 = arith.constant 0 : i32
    %dma_wait3A_60 = tpu.memref_slice %arg4[%dma_wait3A_58, %dma_wait3A_59] : memref<507904x128xf32, #tpu.memory_space<hbm>> -> memref<507904x128xf32, #tpu.memory_space<hbm>>
    tpu.wait_indirect_dma semaphore(%arg10 : memref<!tpu.dma_semaphore, #tpu.memory_space<semaphore_mem>>) src(%dma_wait3A_60 : memref<507904x128xf32, #tpu.memory_space<hbm>>) dst(%dma_wait3A_54 : memref<128x128xf32, #tpu.memory_space<vmem>>)
    %dma_wait3A_61 = arith.constant 2 : i32
    %dma_wait3A_62 = arith.constant 256 : i32
    %dma_wait3A_63 = arith.constant 0 : i32
    %dma_wait3A_64 = tpu.memref_slice %arg9[%dma_wait3A_62, %dma_wait3A_63] : memref<512x128xf32, #tpu.memory_space<vmem>> -> memref<128x128xf32, #tpu.memory_space<vmem>>
    %dma_wait3A_65 = arith.constant 0 : i32
    %dma_wait3A_66 = tpu.memref_slice %arg7[%dma_wait3A_61, %dma_wait3A_65] : memref<4x128xi32, #tpu.memory_space<vmem>> -> memref<1x128xi32, #tpu.memory_space<vmem>>
    %dma_wait3A_67 = tpu.memref_squeeze %dma_wait3A_66 : memref<1x128xi32, #tpu.memory_space<vmem>> -> memref<128xi32, #tpu.memory_space<vmem>>
    %dma_wait3A_68 = arith.constant 0 : i32
    %dma_wait3A_69 = arith.constant 0 : i32
    %dma_wait3A_70 = tpu.memref_slice %arg4[%dma_wait3A_68, %dma_wait3A_69] : memref<507904x128xf32, #tpu.memory_space<hbm>> -> memref<507904x128xf32, #tpu.memory_space<hbm>>
    tpu.wait_indirect_dma semaphore(%arg10 : memref<!tpu.dma_semaphore, #tpu.memory_space<semaphore_mem>>) src(%dma_wait3A_70 : memref<507904x128xf32, #tpu.memory_space<hbm>>) dst(%dma_wait3A_64 : memref<128x128xf32, #tpu.memory_space<vmem>>)
    %dma_wait3A_71 = arith.constant 3 : i32
    %dma_wait3A_72 = arith.constant 384 : i32
    %dma_wait3A_73 = arith.constant 0 : i32
    %dma_wait3A_74 = tpu.memref_slice %arg9[%dma_wait3A_72, %dma_wait3A_73] : memref<512x128xf32, #tpu.memory_space<vmem>> -> memref<128x128xf32, #tpu.memory_space<vmem>>
    %dma_wait3A_75 = arith.constant 0 : i32
    %dma_wait3A_76 = tpu.memref_slice %arg7[%dma_wait3A_71, %dma_wait3A_75] : memref<4x128xi32, #tpu.memory_space<vmem>> -> memref<1x128xi32, #tpu.memory_space<vmem>>
    %dma_wait3A_77 = tpu.memref_squeeze %dma_wait3A_76 : memref<1x128xi32, #tpu.memory_space<vmem>> -> memref<128xi32, #tpu.memory_space<vmem>>
    %dma_wait3A_78 = arith.constant 0 : i32
    %dma_wait3A_79 = arith.constant 0 : i32
    %dma_wait3A_80 = tpu.memref_slice %arg4[%dma_wait3A_78, %dma_wait3A_79] : memref<507904x128xf32, #tpu.memory_space<hbm>> -> memref<507904x128xf32, #tpu.memory_space<hbm>>
    tpu.wait_indirect_dma semaphore(%arg10 : memref<!tpu.dma_semaphore, #tpu.memory_space<semaphore_mem>>) src(%dma_wait3A_80 : memref<507904x128xf32, #tpu.memory_space<hbm>>) dst(%dma_wait3A_74 : memref<128x128xf32, #tpu.memory_space<vmem>>)
    "tpu.region"() ({
      %run_scoped3A = tpu.sem_alloc : memref<!tpu.dma_semaphore, #tpu.memory_space<semaphore_mem>>
      %dma_start3A_161 = arith.constant 0 : i32
      %dma_start3A_162 = tpu.memref_slice %arg5[%mul3A_2, %dma_start3A_161] : memref<16384x128xf32, #tpu.memory_space<hbm>> -> memref<512x128xf32, #tpu.memory_space<hbm>>
      %dma_start3A_163 = arith.constant 0 : i32
      %dma_start3A_164 = tpu.memref_slice %arg5[%mul3A_2, %dma_start3A_163] : memref<16384x128xf32, #tpu.memory_space<hbm>> -> memref<512x128xf32, #tpu.memory_space<hbm>>
      tpu.enqueue_dma source(%arg9 : memref<512x128xf32, #tpu.memory_space<vmem>>) target(%dma_start3A_164 : memref<512x128xf32, #tpu.memory_space<hbm>>) target_semaphore(%run_scoped3A : memref<!tpu.dma_semaphore, #tpu.memory_space<semaphore_mem>>)
      %dma_wait3A_165 = arith.constant 0 : i32
      %dma_wait3A_166 = tpu.memref_slice %arg5[%mul3A_2, %dma_wait3A_165] : memref<16384x128xf32, #tpu.memory_space<hbm>> -> memref<512x128xf32, #tpu.memory_space<hbm>>
      %dma_wait3A_167 = arith.constant 0 : i32
      %dma_wait3A_168 = tpu.memref_slice %arg5[%mul3A_2, %dma_wait3A_167] : memref<16384x128xf32, #tpu.memory_space<hbm>> -> memref<512x128xf32, #tpu.memory_space<hbm>>
      tpu.wait_dma2 semaphore(%run_scoped3A : memref<!tpu.dma_semaphore, #tpu.memory_space<semaphore_mem>>) src(%arg9 : memref<512x128xf32, #tpu.memory_space<vmem>>) dst(%dma_wait3A_168 : memref<512x128xf32, #tpu.memory_space<hbm>>)
      tpu.yield
    }) : () -> ()
    %dma_start3A_81 = arith.constant 0 : i32
    %dma_start3A_82 = arith.constant 0 : i32
    %dma_start3A_83 = arith.constant 0 : i32
    %dma_start3A_84 = tpu.memref_slice %arg9[%dma_start3A_82, %dma_start3A_83] : memref<512x128xf32, #tpu.memory_space<vmem>> -> memref<128x128xf32, #tpu.memory_space<vmem>>
    %dma_start3A_85 = arith.constant 0 : i32
    %dma_start3A_86 = tpu.memref_slice %arg8[%dma_start3A_81, %dma_start3A_85] : memref<4x128xi32, #tpu.memory_space<vmem>> -> memref<1x128xi32, #tpu.memory_space<vmem>>
    %dma_start3A_87 = tpu.memref_squeeze %dma_start3A_86 : memref<1x128xi32, #tpu.memory_space<vmem>> -> memref<128xi32, #tpu.memory_space<vmem>>
    %dma_start3A_88 = arith.constant 0 : i32
    %dma_start3A_89 = arith.constant 0 : i32
    %dma_start3A_90 = tpu.memref_slice %arg4[%dma_start3A_88, %dma_start3A_89] : memref<507904x128xf32, #tpu.memory_space<hbm>> -> memref<507904x128xf32, #tpu.memory_space<hbm>>
    tpu.enqueue_indirect_dma source(%dma_start3A_90 : memref<507904x128xf32, #tpu.memory_space<hbm>>) target(%dma_start3A_84 : memref<128x128xf32, #tpu.memory_space<vmem>>) offsets(%dma_start3A_87 : memref<128xi32, #tpu.memory_space<vmem>>) semaphore(%arg10 : memref<!tpu.dma_semaphore, #tpu.memory_space<semaphore_mem>>)
    %dma_start3A_91 = arith.constant 1 : i32
    %dma_start3A_92 = arith.constant 128 : i32
    %dma_start3A_93 = arith.constant 0 : i32
    %dma_start3A_94 = tpu.memref_slice %arg9[%dma_start3A_92, %dma_start3A_93] : memref<512x128xf32, #tpu.memory_space<vmem>> -> memref<128x128xf32, #tpu.memory_space<vmem>>
    %dma_start3A_95 = arith.constant 0 : i32
    %dma_start3A_96 = tpu.memref_slice %arg8[%dma_start3A_91, %dma_start3A_95] : memref<4x128xi32, #tpu.memory_space<vmem>> -> memref<1x128xi32, #tpu.memory_space<vmem>>
    %dma_start3A_97 = tpu.memref_squeeze %dma_start3A_96 : memref<1x128xi32, #tpu.memory_space<vmem>> -> memref<128xi32, #tpu.memory_space<vmem>>
    %dma_start3A_98 = arith.constant 0 : i32
    %dma_start3A_99 = arith.constant 0 : i32
    %dma_start3A_100 = tpu.memref_slice %arg4[%dma_start3A_98, %dma_start3A_99] : memref<507904x128xf32, #tpu.memory_space<hbm>> -> memref<507904x128xf32, #tpu.memory_space<hbm>>
    tpu.enqueue_indirect_dma source(%dma_start3A_100 : memref<507904x128xf32, #tpu.memory_space<hbm>>) target(%dma_start3A_94 : memref<128x128xf32, #tpu.memory_space<vmem>>) offsets(%dma_start3A_97 : memref<128xi32, #tpu.memory_space<vmem>>) semaphore(%arg10 : memref<!tpu.dma_semaphore, #tpu.memory_space<semaphore_mem>>)
    %dma_start3A_101 = arith.constant 2 : i32
    %dma_start3A_102 = arith.constant 256 : i32
    %dma_start3A_103 = arith.constant 0 : i32
    %dma_start3A_104 = tpu.memref_slice %arg9[%dma_start3A_102, %dma_start3A_103] : memref<512x128xf32, #tpu.memory_space<vmem>> -> memref<128x128xf32, #tpu.memory_space<vmem>>
    %dma_start3A_105 = arith.constant 0 : i32
    %dma_start3A_106 = tpu.memref_slice %arg8[%dma_start3A_101, %dma_start3A_105] : memref<4x128xi32, #tpu.memory_space<vmem>> -> memref<1x128xi32, #tpu.memory_space<vmem>>
    %dma_start3A_107 = tpu.memref_squeeze %dma_start3A_106 : memref<1x128xi32, #tpu.memory_space<vmem>> -> memref<128xi32, #tpu.memory_space<vmem>>
    %dma_start3A_108 = arith.constant 0 : i32
    %dma_start3A_109 = arith.constant 0 : i32
    %dma_start3A_110 = tpu.memref_slice %arg4[%dma_start3A_108, %dma_start3A_109] : memref<507904x128xf32, #tpu.memory_space<hbm>> -> memref<507904x128xf32, #tpu.memory_space<hbm>>
    tpu.enqueue_indirect_dma source(%dma_start3A_110 : memref<507904x128xf32, #tpu.memory_space<hbm>>) target(%dma_start3A_104 : memref<128x128xf32, #tpu.memory_space<vmem>>) offsets(%dma_start3A_107 : memref<128xi32, #tpu.memory_space<vmem>>) semaphore(%arg10 : memref<!tpu.dma_semaphore, #tpu.memory_space<semaphore_mem>>)
    %dma_start3A_111 = arith.constant 3 : i32
    %dma_start3A_112 = arith.constant 384 : i32
    %dma_start3A_113 = arith.constant 0 : i32
    %dma_start3A_114 = tpu.memref_slice %arg9[%dma_start3A_112, %dma_start3A_113] : memref<512x128xf32, #tpu.memory_space<vmem>> -> memref<128x128xf32, #tpu.memory_space<vmem>>
    %dma_start3A_115 = arith.constant 0 : i32
    %dma_start3A_116 = tpu.memref_slice %arg8[%dma_start3A_111, %dma_start3A_115] : memref<4x128xi32, #tpu.memory_space<vmem>> -> memref<1x128xi32, #tpu.memory_space<vmem>>
    %dma_start3A_117 = tpu.memref_squeeze %dma_start3A_116 : memref<1x128xi32, #tpu.memory_space<vmem>> -> memref<128xi32, #tpu.memory_space<vmem>>
    %dma_start3A_118 = arith.constant 0 : i32
    %dma_start3A_119 = arith.constant 0 : i32
    %dma_start3A_120 = tpu.memref_slice %arg4[%dma_start3A_118, %dma_start3A_119] : memref<507904x128xf32, #tpu.memory_space<hbm>> -> memref<507904x128xf32, #tpu.memory_space<hbm>>
    tpu.enqueue_indirect_dma source(%dma_start3A_120 : memref<507904x128xf32, #tpu.memory_space<hbm>>) target(%dma_start3A_114 : memref<128x128xf32, #tpu.memory_space<vmem>>) offsets(%dma_start3A_117 : memref<128xi32, #tpu.memory_space<vmem>>) semaphore(%arg10 : memref<!tpu.dma_semaphore, #tpu.memory_space<semaphore_mem>>)
    %dma_wait3A_121 = arith.constant 0 : i32
    %dma_wait3A_122 = arith.constant 0 : i32
    %dma_wait3A_123 = arith.constant 0 : i32
    %dma_wait3A_124 = tpu.memref_slice %arg9[%dma_wait3A_122, %dma_wait3A_123] : memref<512x128xf32, #tpu.memory_space<vmem>> -> memref<128x128xf32, #tpu.memory_space<vmem>>
    %dma_wait3A_125 = arith.constant 0 : i32
    %dma_wait3A_126 = tpu.memref_slice %arg8[%dma_wait3A_121, %dma_wait3A_125] : memref<4x128xi32, #tpu.memory_space<vmem>> -> memref<1x128xi32, #tpu.memory_space<vmem>>
    %dma_wait3A_127 = tpu.memref_squeeze %dma_wait3A_126 : memref<1x128xi32, #tpu.memory_space<vmem>> -> memref<128xi32, #tpu.memory_space<vmem>>
    %dma_wait3A_128 = arith.constant 0 : i32
    %dma_wait3A_129 = arith.constant 0 : i32
    %dma_wait3A_130 = tpu.memref_slice %arg4[%dma_wait3A_128, %dma_wait3A_129] : memref<507904x128xf32, #tpu.memory_space<hbm>> -> memref<507904x128xf32, #tpu.memory_space<hbm>>
    tpu.wait_indirect_dma semaphore(%arg10 : memref<!tpu.dma_semaphore, #tpu.memory_space<semaphore_mem>>) src(%dma_wait3A_130 : memref<507904x128xf32, #tpu.memory_space<hbm>>) dst(%dma_wait3A_124 : memref<128x128xf32, #tpu.memory_space<vmem>>)
    %dma_wait3A_131 = arith.constant 1 : i32
    %dma_wait3A_132 = arith.constant 128 : i32
    %dma_wait3A_133 = arith.constant 0 : i32
    %dma_wait3A_134 = tpu.memref_slice %arg9[%dma_wait3A_132, %dma_wait3A_133] : memref<512x128xf32, #tpu.memory_space<vmem>> -> memref<128x128xf32, #tpu.memory_space<vmem>>
    %dma_wait3A_135 = arith.constant 0 : i32
    %dma_wait3A_136 = tpu.memref_slice %arg8[%dma_wait3A_131, %dma_wait3A_135] : memref<4x128xi32, #tpu.memory_space<vmem>> -> memref<1x128xi32, #tpu.memory_space<vmem>>
    %dma_wait3A_137 = tpu.memref_squeeze %dma_wait3A_136 : memref<1x128xi32, #tpu.memory_space<vmem>> -> memref<128xi32, #tpu.memory_space<vmem>>
    %dma_wait3A_138 = arith.constant 0 : i32
    %dma_wait3A_139 = arith.constant 0 : i32
    %dma_wait3A_140 = tpu.memref_slice %arg4[%dma_wait3A_138, %dma_wait3A_139] : memref<507904x128xf32, #tpu.memory_space<hbm>> -> memref<507904x128xf32, #tpu.memory_space<hbm>>
    tpu.wait_indirect_dma semaphore(%arg10 : memref<!tpu.dma_semaphore, #tpu.memory_space<semaphore_mem>>) src(%dma_wait3A_140 : memref<507904x128xf32, #tpu.memory_space<hbm>>) dst(%dma_wait3A_134 : memref<128x128xf32, #tpu.memory_space<vmem>>)
    %dma_wait3A_141 = arith.constant 2 : i32
    %dma_wait3A_142 = arith.constant 256 : i32
    %dma_wait3A_143 = arith.constant 0 : i32
    %dma_wait3A_144 = tpu.memref_slice %arg9[%dma_wait3A_142, %dma_wait3A_143] : memref<512x128xf32, #tpu.memory_space<vmem>> -> memref<128x128xf32, #tpu.memory_space<vmem>>
    %dma_wait3A_145 = arith.constant 0 : i32
    %dma_wait3A_146 = tpu.memref_slice %arg8[%dma_wait3A_141, %dma_wait3A_145] : memref<4x128xi32, #tpu.memory_space<vmem>> -> memref<1x128xi32, #tpu.memory_space<vmem>>
    %dma_wait3A_147 = tpu.memref_squeeze %dma_wait3A_146 : memref<1x128xi32, #tpu.memory_space<vmem>> -> memref<128xi32, #tpu.memory_space<vmem>>
    %dma_wait3A_148 = arith.constant 0 : i32
    %dma_wait3A_149 = arith.constant 0 : i32
    %dma_wait3A_150 = tpu.memref_slice %arg4[%dma_wait3A_148, %dma_wait3A_149] : memref<507904x128xf32, #tpu.memory_space<hbm>> -> memref<507904x128xf32, #tpu.memory_space<hbm>>
    tpu.wait_indirect_dma semaphore(%arg10 : memref<!tpu.dma_semaphore, #tpu.memory_space<semaphore_mem>>) src(%dma_wait3A_150 : memref<507904x128xf32, #tpu.memory_space<hbm>>) dst(%dma_wait3A_144 : memref<128x128xf32, #tpu.memory_space<vmem>>)
    %dma_wait3A_151 = arith.constant 3 : i32
    %dma_wait3A_152 = arith.constant 384 : i32
    %dma_wait3A_153 = arith.constant 0 : i32
    %dma_wait3A_154 = tpu.memref_slice %arg9[%dma_wait3A_152, %dma_wait3A_153] : memref<512x128xf32, #tpu.memory_space<vmem>> -> memref<128x128xf32, #tpu.memory_space<vmem>>
    %dma_wait3A_155 = arith.constant 0 : i32
    %dma_wait3A_156 = tpu.memref_slice %arg8[%dma_wait3A_151, %dma_wait3A_155] : memref<4x128xi32, #tpu.memory_space<vmem>> -> memref<1x128xi32, #tpu.memory_space<vmem>>
    %dma_wait3A_157 = tpu.memref_squeeze %dma_wait3A_156 : memref<1x128xi32, #tpu.memory_space<vmem>> -> memref<128xi32, #tpu.memory_space<vmem>>
    %dma_wait3A_158 = arith.constant 0 : i32
    %dma_wait3A_159 = arith.constant 0 : i32
    %dma_wait3A_160 = tpu.memref_slice %arg4[%dma_wait3A_158, %dma_wait3A_159] : memref<507904x128xf32, #tpu.memory_space<hbm>> -> memref<507904x128xf32, #tpu.memory_space<hbm>>
    tpu.wait_indirect_dma semaphore(%arg10 : memref<!tpu.dma_semaphore, #tpu.memory_space<semaphore_mem>>) src(%dma_wait3A_160 : memref<507904x128xf32, #tpu.memory_space<hbm>>) dst(%dma_wait3A_154 : memref<128x128xf32, #tpu.memory_space<vmem>>)
    "tpu.region"() ({
      %run_scoped3A = tpu.sem_alloc : memref<!tpu.dma_semaphore, #tpu.memory_space<semaphore_mem>>
      %dma_start3A_161 = arith.constant 0 : i32
      %dma_start3A_162 = tpu.memref_slice %arg6[%mul3A_2, %dma_start3A_161] : memref<16384x128xf32, #tpu.memory_space<hbm>> -> memref<512x128xf32, #tpu.memory_space<hbm>>
      %dma_start3A_163 = arith.constant 0 : i32
      %dma_start3A_164 = tpu.memref_slice %arg6[%mul3A_2, %dma_start3A_163] : memref<16384x128xf32, #tpu.memory_space<hbm>> -> memref<512x128xf32, #tpu.memory_space<hbm>>
      tpu.enqueue_dma source(%arg9 : memref<512x128xf32, #tpu.memory_space<vmem>>) target(%dma_start3A_164 : memref<512x128xf32, #tpu.memory_space<hbm>>) target_semaphore(%run_scoped3A : memref<!tpu.dma_semaphore, #tpu.memory_space<semaphore_mem>>)
      %dma_wait3A_165 = arith.constant 0 : i32
      %dma_wait3A_166 = tpu.memref_slice %arg6[%mul3A_2, %dma_wait3A_165] : memref<16384x128xf32, #tpu.memory_space<hbm>> -> memref<512x128xf32, #tpu.memory_space<hbm>>
      %dma_wait3A_167 = arith.constant 0 : i32
      %dma_wait3A_168 = tpu.memref_slice %arg6[%mul3A_2, %dma_wait3A_167] : memref<16384x128xf32, #tpu.memory_space<hbm>> -> memref<512x128xf32, #tpu.memory_space<hbm>>
      tpu.wait_dma2 semaphore(%run_scoped3A : memref<!tpu.dma_semaphore, #tpu.memory_space<semaphore_mem>>) src(%arg9 : memref<512x128xf32, #tpu.memory_space<vmem>>) dst(%dma_wait3A_168 : memref<512x128xf32, #tpu.memory_space<hbm>>)
      tpu.yield
    }) : () -> ()
    return
  }
}

module attributes {stable_mosaic.version = 14 : i64} {
  func.func @body(%arg0: i32, %arg1: memref<64x8192xf32, #tpu.memory_space<vmem>>, %arg2: memref<64x8192xf32, #tpu.memory_space<vmem>>, %arg3: memref<8192x128xf32, #tpu.memory_space<vmem>>) attributes {dimension_semantics = [#tpu.dimension_semantics<arbitrary>], iteration_bounds = array<i64: 62>, scalar_prefetch = 0 : i64, scratch_operands = 0 : i64, tpu.core_type = #tpu.core_type<tc>, window_params = [{transform_indices = @transform_0, window_bounds = array<i64: 64, 8192>}, {transform_indices = @transform_1, window_bounds = array<i64: 64, 8192>}, {transform_indices = @transform_2, window_bounds = array<i64: 8192, 128>}]} {
    %get3A = arith.constant 0 : index
    %get3A_0 = arith.constant 0 : index
    %get3A_1 = vector.load %arg1[%get3A, %get3A_0] : memref<64x8192xf32, #tpu.memory_space<vmem>>, vector<64x1024xf32>
    %transpose3A = tpu.transpose %get3A_1, [1, 0] : vector<64x1024xf32> -> vector<1024x64xf32>
    %swap3A = arith.constant 0 : index
    %swap3A_2 = arith.constant 0 : index
    %swap3A_3 = vector.load %arg3[%swap3A, %swap3A_2] : memref<8192x128xf32, #tpu.memory_space<vmem>>, vector<1024x64xf32>
    tpu.vector_store %arg3[%swap3A, %swap3A_2], %transpose3A {strides = array<i32>} : memref<8192x128xf32, #tpu.memory_space<vmem>>, vector<1024x64xf32>,
    %get3A_4 = arith.constant 0 : index
    %get3A_5 = arith.constant 0 : index
    %get3A_6 = vector.load %arg2[%get3A_4, %get3A_5] : memref<64x8192xf32, #tpu.memory_space<vmem>>, vector<64x1024xf32>
    %transpose3A_7 = tpu.transpose %get3A_6, [1, 0] : vector<64x1024xf32> -> vector<1024x64xf32>
    %swap3A_8 = arith.constant 0 : index
    %swap3A_9 = arith.constant 64 : index
    %swap3A_10 = vector.load %arg3[%swap3A_8, %swap3A_9] : memref<8192x128xf32, #tpu.memory_space<vmem>>, vector<1024x64xf32>
    tpu.vector_store %arg3[%swap3A_8, %swap3A_9], %transpose3A_7 {strides = array<i32>} : memref<8192x128xf32, #tpu.memory_space<vmem>>, vector<1024x64xf32>,
    %get3A_11 = arith.constant 0 : index
    %get3A_12 = arith.constant 1024 : index
    %get3A_13 = vector.load %arg1[%get3A_11, %get3A_12] : memref<64x8192xf32, #tpu.memory_space<vmem>>, vector<64x1024xf32>
    %transpose3A_14 = tpu.transpose %get3A_13, [1, 0] : vector<64x1024xf32> -> vector<1024x64xf32>
    %swap3A_15 = arith.constant 1024 : index
    %swap3A_16 = arith.constant 0 : index
    %swap3A_17 = vector.load %arg3[%swap3A_15, %swap3A_16] : memref<8192x128xf32, #tpu.memory_space<vmem>>, vector<1024x64xf32>
    tpu.vector_store %arg3[%swap3A_15, %swap3A_16], %transpose3A_14 {strides = array<i32>} : memref<8192x128xf32, #tpu.memory_space<vmem>>, vector<1024x64xf32>,
    %get3A_18 = arith.constant 0 : index
    %get3A_19 = arith.constant 1024 : index
    %get3A_20 = vector.load %arg2[%get3A_18, %get3A_19] : memref<64x8192xf32, #tpu.memory_space<vmem>>, vector<64x1024xf32>
    %transpose3A_21 = tpu.transpose %get3A_20, [1, 0] : vector<64x1024xf32> -> vector<1024x64xf32>
    %swap3A_22 = arith.constant 1024 : index
    %swap3A_23 = arith.constant 64 : index
    %swap3A_24 = vector.load %arg3[%swap3A_22, %swap3A_23] : memref<8192x128xf32, #tpu.memory_space<vmem>>, vector<1024x64xf32>
    tpu.vector_store %arg3[%swap3A_22, %swap3A_23], %transpose3A_21 {strides = array<i32>} : memref<8192x128xf32, #tpu.memory_space<vmem>>, vector<1024x64xf32>,
    %get3A_25 = arith.constant 0 : index
    %get3A_26 = arith.constant 2048 : index
    %get3A_27 = vector.load %arg1[%get3A_25, %get3A_26] : memref<64x8192xf32, #tpu.memory_space<vmem>>, vector<64x1024xf32>
    %transpose3A_28 = tpu.transpose %get3A_27, [1, 0] : vector<64x1024xf32> -> vector<1024x64xf32>
    %swap3A_29 = arith.constant 2048 : index
    %swap3A_30 = arith.constant 0 : index
    %swap3A_31 = vector.load %arg3[%swap3A_29, %swap3A_30] : memref<8192x128xf32, #tpu.memory_space<vmem>>, vector<1024x64xf32>
    tpu.vector_store %arg3[%swap3A_29, %swap3A_30], %transpose3A_28 {strides = array<i32>} : memref<8192x128xf32, #tpu.memory_space<vmem>>, vector<1024x64xf32>,
    %get3A_32 = arith.constant 0 : index
    %get3A_33 = arith.constant 2048 : index
    %get3A_34 = vector.load %arg2[%get3A_32, %get3A_33] : memref<64x8192xf32, #tpu.memory_space<vmem>>, vector<64x1024xf32>
    %transpose3A_35 = tpu.transpose %get3A_34, [1, 0] : vector<64x1024xf32> -> vector<1024x64xf32>
    %swap3A_36 = arith.constant 2048 : index
    %swap3A_37 = arith.constant 64 : index
    %swap3A_38 = vector.load %arg3[%swap3A_36, %swap3A_37] : memref<8192x128xf32, #tpu.memory_space<vmem>>, vector<1024x64xf32>
    tpu.vector_store %arg3[%swap3A_36, %swap3A_37], %transpose3A_35 {strides = array<i32>} : memref<8192x128xf32, #tpu.memory_space<vmem>>, vector<1024x64xf32>,
    %get3A_39 = arith.constant 0 : index
    %get3A_40 = arith.constant 3072 : index
    %get3A_41 = vector.load %arg1[%get3A_39, %get3A_40] : memref<64x8192xf32, #tpu.memory_space<vmem>>, vector<64x1024xf32>
    %transpose3A_42 = tpu.transpose %get3A_41, [1, 0] : vector<64x1024xf32> -> vector<1024x64xf32>
    %swap3A_43 = arith.constant 3072 : index
    %swap3A_44 = arith.constant 0 : index
    %swap3A_45 = vector.load %arg3[%swap3A_43, %swap3A_44] : memref<8192x128xf32, #tpu.memory_space<vmem>>, vector<1024x64xf32>
    tpu.vector_store %arg3[%swap3A_43, %swap3A_44], %transpose3A_42 {strides = array<i32>} : memref<8192x128xf32, #tpu.memory_space<vmem>>, vector<1024x64xf32>,
    %get3A_46 = arith.constant 0 : index
    %get3A_47 = arith.constant 3072 : index
    %get3A_48 = vector.load %arg2[%get3A_46, %get3A_47] : memref<64x8192xf32, #tpu.memory_space<vmem>>, vector<64x1024xf32>
    %transpose3A_49 = tpu.transpose %get3A_48, [1, 0] : vector<64x1024xf32> -> vector<1024x64xf32>
    %swap3A_50 = arith.constant 3072 : index
    %swap3A_51 = arith.constant 64 : index
    %swap3A_52 = vector.load %arg3[%swap3A_50, %swap3A_51] : memref<8192x128xf32, #tpu.memory_space<vmem>>, vector<1024x64xf32>
    tpu.vector_store %arg3[%swap3A_50, %swap3A_51], %transpose3A_49 {strides = array<i32>} : memref<8192x128xf32, #tpu.memory_space<vmem>>, vector<1024x64xf32>,
    %get3A_53 = arith.constant 0 : index
    %get3A_54 = arith.constant 4096 : index
    %get3A_55 = vector.load %arg1[%get3A_53, %get3A_54] : memref<64x8192xf32, #tpu.memory_space<vmem>>, vector<64x1024xf32>
    %transpose3A_56 = tpu.transpose %get3A_55, [1, 0] : vector<64x1024xf32> -> vector<1024x64xf32>
    %swap3A_57 = arith.constant 4096 : index
    %swap3A_58 = arith.constant 0 : index
    %swap3A_59 = vector.load %arg3[%swap3A_57, %swap3A_58] : memref<8192x128xf32, #tpu.memory_space<vmem>>, vector<1024x64xf32>
    tpu.vector_store %arg3[%swap3A_57, %swap3A_58], %transpose3A_56 {strides = array<i32>} : memref<8192x128xf32, #tpu.memory_space<vmem>>, vector<1024x64xf32>,
    %get3A_60 = arith.constant 0 : index
    %get3A_61 = arith.constant 4096 : index
    %get3A_62 = vector.load %arg2[%get3A_60, %get3A_61] : memref<64x8192xf32, #tpu.memory_space<vmem>>, vector<64x1024xf32>
    %transpose3A_63 = tpu.transpose %get3A_62, [1, 0] : vector<64x1024xf32> -> vector<1024x64xf32>
    %swap3A_64 = arith.constant 4096 : index
    %swap3A_65 = arith.constant 64 : index
    %swap3A_66 = vector.load %arg3[%swap3A_64, %swap3A_65] : memref<8192x128xf32, #tpu.memory_space<vmem>>, vector<1024x64xf32>
    tpu.vector_store %arg3[%swap3A_64, %swap3A_65], %transpose3A_63 {strides = array<i32>} : memref<8192x128xf32, #tpu.memory_space<vmem>>, vector<1024x64xf32>,
    %get3A_67 = arith.constant 0 : index
    %get3A_68 = arith.constant 5120 : index
    %get3A_69 = vector.load %arg1[%get3A_67, %get3A_68] : memref<64x8192xf32, #tpu.memory_space<vmem>>, vector<64x1024xf32>
    %transpose3A_70 = tpu.transpose %get3A_69, [1, 0] : vector<64x1024xf32> -> vector<1024x64xf32>
    %swap3A_71 = arith.constant 5120 : index
    %swap3A_72 = arith.constant 0 : index
    %swap3A_73 = vector.load %arg3[%swap3A_71, %swap3A_72] : memref<8192x128xf32, #tpu.memory_space<vmem>>, vector<1024x64xf32>
    tpu.vector_store %arg3[%swap3A_71, %swap3A_72], %transpose3A_70 {strides = array<i32>} : memref<8192x128xf32, #tpu.memory_space<vmem>>, vector<1024x64xf32>,
    %get3A_74 = arith.constant 0 : index
    %get3A_75 = arith.constant 5120 : index
    %get3A_76 = vector.load %arg2[%get3A_74, %get3A_75] : memref<64x8192xf32, #tpu.memory_space<vmem>>, vector<64x1024xf32>
    %transpose3A_77 = tpu.transpose %get3A_76, [1, 0] : vector<64x1024xf32> -> vector<1024x64xf32>
    %swap3A_78 = arith.constant 5120 : index
    %swap3A_79 = arith.constant 64 : index
    %swap3A_80 = vector.load %arg3[%swap3A_78, %swap3A_79] : memref<8192x128xf32, #tpu.memory_space<vmem>>, vector<1024x64xf32>
    tpu.vector_store %arg3[%swap3A_78, %swap3A_79], %transpose3A_77 {strides = array<i32>} : memref<8192x128xf32, #tpu.memory_space<vmem>>, vector<1024x64xf32>,
    %get3A_81 = arith.constant 0 : index
    %get3A_82 = arith.constant 6144 : index
    %get3A_83 = vector.load %arg1[%get3A_81, %get3A_82] : memref<64x8192xf32, #tpu.memory_space<vmem>>, vector<64x1024xf32>
    %transpose3A_84 = tpu.transpose %get3A_83, [1, 0] : vector<64x1024xf32> -> vector<1024x64xf32>
    %swap3A_85 = arith.constant 6144 : index
    %swap3A_86 = arith.constant 0 : index
    %swap3A_87 = vector.load %arg3[%swap3A_85, %swap3A_86] : memref<8192x128xf32, #tpu.memory_space<vmem>>, vector<1024x64xf32>
    tpu.vector_store %arg3[%swap3A_85, %swap3A_86], %transpose3A_84 {strides = array<i32>} : memref<8192x128xf32, #tpu.memory_space<vmem>>, vector<1024x64xf32>,
    %get3A_88 = arith.constant 0 : index
    %get3A_89 = arith.constant 6144 : index
    %get3A_90 = vector.load %arg2[%get3A_88, %get3A_89] : memref<64x8192xf32, #tpu.memory_space<vmem>>, vector<64x1024xf32>
    %transpose3A_91 = tpu.transpose %get3A_90, [1, 0] : vector<64x1024xf32> -> vector<1024x64xf32>
    %swap3A_92 = arith.constant 6144 : index
    %swap3A_93 = arith.constant 64 : index
    %swap3A_94 = vector.load %arg3[%swap3A_92, %swap3A_93] : memref<8192x128xf32, #tpu.memory_space<vmem>>, vector<1024x64xf32>
    tpu.vector_store %arg3[%swap3A_92, %swap3A_93], %transpose3A_91 {strides = array<i32>} : memref<8192x128xf32, #tpu.memory_space<vmem>>, vector<1024x64xf32>,
    %get3A_95 = arith.constant 0 : index
    %get3A_96 = arith.constant 7168 : index
    %get3A_97 = vector.load %arg1[%get3A_95, %get3A_96] : memref<64x8192xf32, #tpu.memory_space<vmem>>, vector<64x1024xf32>
    %transpose3A_98 = tpu.transpose %get3A_97, [1, 0] : vector<64x1024xf32> -> vector<1024x64xf32>
    %swap3A_99 = arith.constant 7168 : index
    %swap3A_100 = arith.constant 0 : index
    %swap3A_101 = vector.load %arg3[%swap3A_99, %swap3A_100] : memref<8192x128xf32, #tpu.memory_space<vmem>>, vector<1024x64xf32>
    tpu.vector_store %arg3[%swap3A_99, %swap3A_100], %transpose3A_98 {strides = array<i32>} : memref<8192x128xf32, #tpu.memory_space<vmem>>, vector<1024x64xf32>,
    %get3A_102 = arith.constant 0 : index
    %get3A_103 = arith.constant 7168 : index
    %get3A_104 = vector.load %arg2[%get3A_102, %get3A_103] : memref<64x8192xf32, #tpu.memory_space<vmem>>, vector<64x1024xf32>
    %transpose3A_105 = tpu.transpose %get3A_104, [1, 0] : vector<64x1024xf32> -> vector<1024x64xf32>
    %swap3A_106 = arith.constant 7168 : index
    %swap3A_107 = arith.constant 64 : index
    %swap3A_108 = vector.load %arg3[%swap3A_106, %swap3A_107] : memref<8192x128xf32, #tpu.memory_space<vmem>>, vector<1024x64xf32>
    tpu.vector_store %arg3[%swap3A_106, %swap3A_107], %transpose3A_105 {strides = array<i32>} : memref<8192x128xf32, #tpu.memory_space<vmem>>, vector<1024x64xf32>,
    return
  }
  func.func @transform_0(%arg0: i32) -> (i32, i32) {
    %mul3A = arith.constant 2 : i32
    %mul3A_0 = arith.muli %mul3A, %arg0 : i32
    %min3A = arith.constant 122 : i32
    %min3A_1 = arith.minsi %mul3A_0, %min3A : i32
    %c0_i32 = arith.constant 0 : i32
    %c0_i32_2 = arith.constant 0 : i32
    return %c0_i32, %min3A_1 : i32, i32
  }
  func.func @transform_1(%arg0: i32) -> (i32, i32) {
    %mul3A = arith.constant 2 : i32
    %mul3A_0 = arith.muli %mul3A, %arg0 : i32
    %add3A = arith.constant 1 : i32
    %add3A_1 = arith.addi %mul3A_0, %add3A : i32
    %min3A = arith.constant 122 : i32
    %min3A_2 = arith.minsi %add3A_1, %min3A : i32
    %c0_i32 = arith.constant 0 : i32
    %c0_i32_3 = arith.constant 0 : i32
    return %c0_i32, %min3A_2 : i32, i32
  }
  func.func @transform_2(%arg0: i32) -> (i32, i32) {
    %c0_i32 = arith.constant 0 : i32
    %c0_i32_0 = arith.constant 0 : i32
    return %arg0, %c0_i32 : i32, i32
  }
}

module attributes {stable_mosaic.version = 14 : i64} {
  func.func @_tc_body(%arg0: i32, %arg1: memref<128x2048xf32, #tpu.memory_space<vmem>>, %arg2: memref<128x2048xf32, #tpu.memory_space<vmem>>, %arg3: memref<16x2048xf32, #tpu.memory_space<vmem>>, %arg4: memref<16x2048xf32, #tpu.memory_space<vmem>>, %arg5: memref<16x2048xf32, #tpu.memory_space<vmem>>, %arg6: memref<16x2048xf32, #tpu.memory_space<vmem>>, %arg7: memref<1x2048xi32, #tpu.memory_space<vmem>>, %arg8: memref<1x2048xi32, #tpu.memory_space<vmem>>, %arg9: memref<1x2048xi32, #tpu.memory_space<vmem>>, %arg10: memref<1x2048xi32, #tpu.memory_space<vmem>>, %arg11: memref<32x2048xf32, #tpu.memory_space<vmem>>, %arg12: memref<32x2048xf32, #tpu.memory_space<vmem>>, %arg13: memref<1x2048xf32, #tpu.memory_space<vmem>>, %arg14: memref<1x2048xf32, #tpu.memory_space<vmem>>, %arg15: memref<1x2048xf32, #tpu.memory_space<vmem>>, %arg16: memref<2x2048xf32, #tpu.memory_space<vmem>>) attributes {dimension_semantics = [#tpu.dimension_semantics<arbitrary>], iteration_bounds = array<i64: 8>, scalar_prefetch = 0 : i64, scratch_operands = 0 : i64, tpu.core_type = #tpu.core_type<tc>, window_params = [{transform_indices = @transform_0, window_bounds = array<i64: 128, 2048>}, {transform_indices = @transform_1, window_bounds = array<i64: 128, 2048>}, {transform_indices = @transform_2, window_bounds = array<i64: 16, 2048>}, {transform_indices = @transform_3, window_bounds = array<i64: 16, 2048>}, {transform_indices = @transform_4, window_bounds = array<i64: 16, 2048>}, {transform_indices = @transform_5, window_bounds = array<i64: 16, 2048>}, {transform_indices = @transform_6, window_bounds = array<i64: 1, 2048>}, {transform_indices = @transform_7, window_bounds = array<i64: 1, 2048>}, {transform_indices = @transform_8, window_bounds = array<i64: 1, 2048>}, {transform_indices = @transform_9, window_bounds = array<i64: 1, 2048>}, {transform_indices = @transform_10, window_bounds = array<i64: 32, 2048>}, {transform_indices = @transform_11, window_bounds = array<i64: 32, 2048>}, {transform_indices = @transform_12, window_bounds = array<i64: 1, 2048>}, {transform_indices = @transform_13, window_bounds = array<i64: 1, 2048>}, {transform_indices = @transform_14, window_bounds = array<i64: 1, 2048>}, {transform_indices = @transform_15, window_bounds = array<i64: 2, 2048>}]} {
    %get3A = arith.constant 0 : index
    %get3A_0 = arith.constant 0 : index
    %get3A_1 = vector.load %arg9[%get3A, %get3A_0] : memref<1x2048xi32, #tpu.memory_space<vmem>>, vector<1x2048xi32>
    %ne3A = arith.constant 0 : i32
    %ne3A_2 = vector.broadcast %ne3A : i32 to vector<1x2048xi32>
    %ne3A_3 = arith.cmpi ne, %get3A_1, %ne3A_2 : vector<1x2048xi32>
    %get3A_4 = arith.constant 0 : index
    %get3A_5 = arith.constant 0 : index
    %get3A_6 = vector.load %arg10[%get3A_4, %get3A_5] : memref<1x2048xi32, #tpu.memory_space<vmem>>, vector<1x2048xi32>
    %ne3A_7 = arith.constant 0 : i32
    %ne3A_8 = vector.broadcast %ne3A_7 : i32 to vector<1x2048xi32>
    %ne3A_9 = arith.cmpi ne, %get3A_6, %ne3A_8 : vector<1x2048xi32>
    %get3A_10 = arith.constant 64 : index
    %get3A_11 = arith.constant 0 : index
    %get3A_12 = vector.load %arg1[%get3A_10, %get3A_11] : memref<128x2048xf32, #tpu.memory_space<vmem>>, vector<32x2048xf32>
    %get3A_13 = arith.constant 0 : index
    %get3A_14 = arith.constant 0 : index
    %get3A_15 = vector.load %arg1[%get3A_13, %get3A_14] : memref<128x2048xf32, #tpu.memory_space<vmem>>, vector<32x2048xf32>
    %broadcast_in_dim3A = vector.shape_cast %ne3A_3 : vector<1x2048xi1> to vector<1x2048xi1>
    %broadcast_in_dim3A_16 = vector.broadcast %broadcast_in_dim3A : vector<1x2048xi1> to vector<32x2048xi1>
    %select_n3A = arith.select %broadcast_in_dim3A_16, %get3A_12, %get3A_15 : vector<32x2048xi1>, vector<32x2048xf32>
    %get3A_17 = arith.constant 96 : index
    %get3A_18 = arith.constant 0 : index
    %get3A_19 = vector.load %arg1[%get3A_17, %get3A_18] : memref<128x2048xf32, #tpu.memory_space<vmem>>, vector<32x2048xf32>
    %get3A_20 = arith.constant 32 : index
    %get3A_21 = arith.constant 0 : index
    %get3A_22 = vector.load %arg1[%get3A_20, %get3A_21] : memref<128x2048xf32, #tpu.memory_space<vmem>>, vector<32x2048xf32>
    %broadcast_in_dim3A_23 = vector.shape_cast %ne3A_3 : vector<1x2048xi1> to vector<1x2048xi1>
    %broadcast_in_dim3A_24 = vector.broadcast %broadcast_in_dim3A_23 : vector<1x2048xi1> to vector<32x2048xi1>
    %select_n3A_25 = arith.select %broadcast_in_dim3A_24, %get3A_19, %get3A_22 : vector<32x2048xi1>, vector<32x2048xf32>
    %get3A_26 = arith.constant 64 : index
    %get3A_27 = arith.constant 0 : index
    %get3A_28 = vector.load %arg2[%get3A_26, %get3A_27] : memref<128x2048xf32, #tpu.memory_space<vmem>>, vector<32x2048xf32>
    %get3A_29 = arith.constant 0 : index
    %get3A_30 = arith.constant 0 : index
    %get3A_31 = vector.load %arg2[%get3A_29, %get3A_30] : memref<128x2048xf32, #tpu.memory_space<vmem>>, vector<32x2048xf32>
    %broadcast_in_dim3A_32 = vector.shape_cast %ne3A_9 : vector<1x2048xi1> to vector<1x2048xi1>
    %broadcast_in_dim3A_33 = vector.broadcast %broadcast_in_dim3A_32 : vector<1x2048xi1> to vector<32x2048xi1>
    %select_n3A_34 = arith.select %broadcast_in_dim3A_33, %get3A_28, %get3A_31 : vector<32x2048xi1>, vector<32x2048xf32>
    %get3A_35 = arith.constant 96 : index
    %get3A_36 = arith.constant 0 : index
    %get3A_37 = vector.load %arg2[%get3A_35, %get3A_36] : memref<128x2048xf32, #tpu.memory_space<vmem>>, vector<32x2048xf32>
    %get3A_38 = arith.constant 32 : index
    %get3A_39 = arith.constant 0 : index
    %get3A_40 = vector.load %arg2[%get3A_38, %get3A_39] : memref<128x2048xf32, #tpu.memory_space<vmem>>, vector<32x2048xf32>
    %broadcast_in_dim3A_41 = vector.shape_cast %ne3A_9 : vector<1x2048xi1> to vector<1x2048xi1>
    %broadcast_in_dim3A_42 = vector.broadcast %broadcast_in_dim3A_41 : vector<1x2048xi1> to vector<32x2048xi1>
    %select_n3A_43 = arith.select %broadcast_in_dim3A_42, %get3A_37, %get3A_40 : vector<32x2048xi1>, vector<32x2048xf32>
    %max3A = arith.constant 0.000000e+00 : f32
    %max3A_44 = vector.broadcast %max3A : f32 to vector<32x2048xf32>
    %max3A_45 = arith.maximumf %select_n3A_25, %max3A_44 : vector<32x2048xf32>
    %abs3A = math.absf %select_n3A_25 : vector<32x2048xf32>
    %neg3A = arith.constant 0.000000e+00 : f32
    %neg3A_46 = vector.broadcast %neg3A : f32 to vector<32x2048xf32>
    %neg3A_47 = arith.subf %neg3A_46, %abs3A : vector<32x2048xf32>
    %exp3A = math.exp %neg3A_47 : vector<32x2048xf32>
    %log1p3A = math.log1p %exp3A : vector<32x2048xf32>
    %add3A = arith.addf %max3A_45, %log1p3A : vector<32x2048xf32>
    %get3A_48 = arith.constant 0 : index
    %get3A_49 = arith.constant 0 : index
    %get3A_50 = vector.load %arg11[%get3A_48, %get3A_49] : memref<32x2048xf32, #tpu.memory_space<vmem>>, vector<32x2048xf32>
    %mul3A = arith.mulf %add3A, %get3A_50 : vector<32x2048xf32>
    %add3A_51 = arith.addf %select_n3A, %mul3A : vector<32x2048xf32>
    %max3A_52 = arith.constant 0.000000e+00 : f32
    %max3A_53 = vector.broadcast %max3A_52 : f32 to vector<32x2048xf32>
    %max3A_54 = arith.maximumf %select_n3A_43, %max3A_53 : vector<32x2048xf32>
    %abs3A_55 = math.absf %select_n3A_43 : vector<32x2048xf32>
    %neg3A_56 = arith.constant 0.000000e+00 : f32
    %neg3A_57 = vector.broadcast %neg3A_56 : f32 to vector<32x2048xf32>
    %neg3A_58 = arith.subf %neg3A_57, %abs3A_55 : vector<32x2048xf32>
    %exp3A_59 = math.exp %neg3A_58 : vector<32x2048xf32>
    %log1p3A_60 = math.log1p %exp3A_59 : vector<32x2048xf32>
    %add3A_61 = arith.addf %max3A_54, %log1p3A_60 : vector<32x2048xf32>
    %get3A_62 = arith.constant 0 : index
    %get3A_63 = arith.constant 0 : index
    %get3A_64 = vector.load %arg12[%get3A_62, %get3A_63] : memref<32x2048xf32, #tpu.memory_space<vmem>>, vector<32x2048xf32>
    %mul3A_65 = arith.mulf %add3A_61, %get3A_64 : vector<32x2048xf32>
    %add3A_66 = arith.addf %select_n3A_34, %mul3A_65 : vector<32x2048xf32>
    %mul3A_67 = arith.mulf %add3A_51, %add3A_66 : vector<32x2048xf32>
    %reduce_sum3A = arith.constant dense<0.000000e+00> : vector<2048xf32>
    %reduce_sum3A_68 = vector.multi_reduction <add>, %mul3A_67, %reduce_sum3A [0] : vector<32x2048xf32> to vector<2048xf32>
    %broadcast_in_dim3A_69 = vector.shape_cast %reduce_sum3A_68 : vector<2048xf32> to vector<1x2048xf32>
    %iota3A = tpu.iota {dimensions = array<i32: 0>} : vector<16x2048xi32>
    %get3A_70 = arith.constant 0 : index
    %get3A_71 = arith.constant 0 : index
    %get3A_72 = vector.load %arg7[%get3A_70, %get3A_71] : memref<1x2048xi32, #tpu.memory_space<vmem>>, vector<1x2048xi32>
    %eq3A = vector.broadcast %get3A_72 : vector<1x2048xi32> to vector<16x2048xi32>
    %eq3A_73 = arith.cmpi eq, %iota3A, %eq3A : vector<16x2048xi32>
    %get3A_74 = arith.constant 0 : index
    %get3A_75 = arith.constant 0 : index
    %get3A_76 = vector.load %arg8[%get3A_74, %get3A_75] : memref<1x2048xi32, #tpu.memory_space<vmem>>, vector<1x2048xi32>
    %eq3A_77 = vector.broadcast %get3A_76 : vector<1x2048xi32> to vector<16x2048xi32>
    %eq3A_78 = arith.cmpi eq, %iota3A, %eq3A_77 : vector<16x2048xi32>
    %get3A_79 = arith.constant 0 : index
    %get3A_80 = arith.constant 0 : index
    %get3A_81 = vector.load %arg3[%get3A_79, %get3A_80] : memref<16x2048xf32, #tpu.memory_space<vmem>>, vector<16x2048xf32>
    %jit3A = arith.constant 0.000000e+00 : f32
    %broadcast_in_dim3A_82 = vector.broadcast %jit3A : f32 to vector<16x2048xf32>
    %select_n3A_83 = arith.select %eq3A_73, %get3A_81, %broadcast_in_dim3A_82 : vector<16x2048xi1>, vector<16x2048xf32>
    %reduce_sum3A_84 = arith.constant dense<0.000000e+00> : vector<2048xf32>
    %reduce_sum3A_85 = vector.multi_reduction <add>, %select_n3A_83, %reduce_sum3A_84 [0] : vector<16x2048xf32> to vector<2048xf32>
    %broadcast_in_dim3A_86 = vector.shape_cast %reduce_sum3A_85 : vector<2048xf32> to vector<1x2048xf32>
    %get3A_87 = arith.constant 0 : index
    %get3A_88 = arith.constant 0 : index
    %get3A_89 = vector.load %arg4[%get3A_87, %get3A_88] : memref<16x2048xf32, #tpu.memory_space<vmem>>, vector<16x2048xf32>
    %jit3A_90 = arith.constant 0.000000e+00 : f32
    %broadcast_in_dim3A_91 = vector.broadcast %jit3A_90 : f32 to vector<16x2048xf32>
    %select_n3A_92 = arith.select %eq3A_73, %get3A_89, %broadcast_in_dim3A_91 : vector<16x2048xi1>, vector<16x2048xf32>
    %reduce_sum3A_93 = arith.constant dense<0.000000e+00> : vector<2048xf32>
    %reduce_sum3A_94 = vector.multi_reduction <add>, %select_n3A_92, %reduce_sum3A_93 [0] : vector<16x2048xf32> to vector<2048xf32>
    %broadcast_in_dim3A_95 = vector.shape_cast %reduce_sum3A_94 : vector<2048xf32> to vector<1x2048xf32>
    %get3A_96 = arith.constant 0 : index
    %get3A_97 = arith.constant 0 : index
    %get3A_98 = vector.load %arg5[%get3A_96, %get3A_97] : memref<16x2048xf32, #tpu.memory_space<vmem>>, vector<16x2048xf32>
    %jit3A_99 = arith.constant 0.000000e+00 : f32
    %broadcast_in_dim3A_100 = vector.broadcast %jit3A_99 : f32 to vector<16x2048xf32>
    %select_n3A_101 = arith.select %eq3A_78, %get3A_98, %broadcast_in_dim3A_100 : vector<16x2048xi1>, vector<16x2048xf32>
    %reduce_sum3A_102 = arith.constant dense<0.000000e+00> : vector<2048xf32>
    %reduce_sum3A_103 = vector.multi_reduction <add>, %select_n3A_101, %reduce_sum3A_102 [0] : vector<16x2048xf32> to vector<2048xf32>
    %broadcast_in_dim3A_104 = vector.shape_cast %reduce_sum3A_103 : vector<2048xf32> to vector<1x2048xf32>
    %get3A_105 = arith.constant 0 : index
    %get3A_106 = arith.constant 0 : index
    %get3A_107 = vector.load %arg6[%get3A_105, %get3A_106] : memref<16x2048xf32, #tpu.memory_space<vmem>>, vector<16x2048xf32>
    %jit3A_108 = arith.constant 0.000000e+00 : f32
    %broadcast_in_dim3A_109 = vector.broadcast %jit3A_108 : f32 to vector<16x2048xf32>
    %select_n3A_110 = arith.select %eq3A_78, %get3A_107, %broadcast_in_dim3A_109 : vector<16x2048xi1>, vector<16x2048xf32>
    %reduce_sum3A_111 = arith.constant dense<0.000000e+00> : vector<2048xf32>
    %reduce_sum3A_112 = vector.multi_reduction <add>, %select_n3A_110, %reduce_sum3A_111 [0] : vector<16x2048xf32> to vector<2048xf32>
    %broadcast_in_dim3A_113 = vector.shape_cast %reduce_sum3A_112 : vector<2048xf32> to vector<1x2048xf32>
    %max3A_114 = arith.constant 0.000000e+00 : f32
    %max3A_115 = vector.broadcast %max3A_114 : f32 to vector<1x2048xf32>
    %max3A_116 = arith.maximumf %broadcast_in_dim3A_95, %max3A_115 : vector<1x2048xf32>
    %abs3A_117 = math.absf %broadcast_in_dim3A_95 : vector<1x2048xf32>
    %neg3A_118 = arith.constant 0.000000e+00 : f32
    %neg3A_119 = vector.broadcast %neg3A_118 : f32 to vector<1x2048xf32>
    %neg3A_120 = arith.subf %neg3A_119, %abs3A_117 : vector<1x2048xf32>
    %exp3A_121 = math.exp %neg3A_120 : vector<1x2048xf32>
    %log1p3A_122 = math.log1p %exp3A_121 : vector<1x2048xf32>
    %add3A_123 = arith.addf %max3A_116, %log1p3A_122 : vector<1x2048xf32>
    %max3A_124 = arith.constant 0.000000e+00 : f32
    %max3A_125 = vector.broadcast %max3A_124 : f32 to vector<1x2048xf32>
    %max3A_126 = arith.maximumf %broadcast_in_dim3A_113, %max3A_125 : vector<1x2048xf32>
    %abs3A_127 = math.absf %broadcast_in_dim3A_113 : vector<1x2048xf32>
    %neg3A_128 = arith.constant 0.000000e+00 : f32
    %neg3A_129 = vector.broadcast %neg3A_128 : f32 to vector<1x2048xf32>
    %neg3A_130 = arith.subf %neg3A_129, %abs3A_127 : vector<1x2048xf32>
    %exp3A_131 = math.exp %neg3A_130 : vector<1x2048xf32>
    %log1p3A_132 = math.log1p %exp3A_131 : vector<1x2048xf32>
    %add3A_133 = arith.addf %max3A_126, %log1p3A_132 : vector<1x2048xf32>
    %get3A_134 = arith.constant 0 : index
    %get3A_135 = arith.constant 0 : index
    %get3A_136 = vector.load %arg13[%get3A_134, %get3A_135] : memref<1x2048xf32, #tpu.memory_space<vmem>>, vector<1x2048xf32>
    %mul3A_137 = arith.mulf %add3A_123, %get3A_136 : vector<1x2048xf32>
    %add3A_138 = arith.addf %broadcast_in_dim3A_86, %mul3A_137 : vector<1x2048xf32>
    %get3A_139 = arith.constant 0 : index
    %get3A_140 = arith.constant 0 : index
    %get3A_141 = vector.load %arg14[%get3A_139, %get3A_140] : memref<1x2048xf32, #tpu.memory_space<vmem>>, vector<1x2048xf32>
    %mul3A_142 = arith.mulf %add3A_133, %get3A_141 : vector<1x2048xf32>
    %add3A_143 = arith.addf %broadcast_in_dim3A_104, %mul3A_142 : vector<1x2048xf32>
    %add3A_144 = arith.addf %add3A_138, %add3A_143 : vector<1x2048xf32>
    %add3A_145 = arith.addf %add3A_144, %broadcast_in_dim3A_69 : vector<1x2048xf32>
    %swap3A = arith.constant 0 : index
    %swap3A_146 = arith.constant 0 : index
    %swap3A_147 = vector.load %arg15[%swap3A, %swap3A_146] : memref<1x2048xf32, #tpu.memory_space<vmem>>, vector<1x2048xf32>
    tpu.vector_store %arg15[%swap3A, %swap3A_146], %add3A_145 {strides = array<i32>} : memref<1x2048xf32, #tpu.memory_space<vmem>>, vector<1x2048xf32>,
    %log3A = math.log %add3A_123 : vector<1x2048xf32>
    %neg3A_148 = arith.constant 0.000000e+00 : f32
    %neg3A_149 = vector.broadcast %neg3A_148 : f32 to vector<1x2048xf32>
    %neg3A_150 = arith.subf %neg3A_149, %log3A : vector<1x2048xf32>
    %mul3A_151 = arith.mulf %add3A_123, %add3A_123 : vector<1x2048xf32>
    %mul3A_152 = arith.mulf %broadcast_in_dim3A_86, %broadcast_in_dim3A_86 : vector<1x2048xf32>
    %add3A_153 = arith.addf %mul3A_151, %mul3A_152 : vector<1x2048xf32>
    %mul3A_154 = arith.constant 5.000000e-01 : f32
    %mul3A_155 = vector.broadcast %mul3A_154 : f32 to vector<1x2048xf32>
    %mul3A_156 = arith.mulf %add3A_153, %mul3A_155 : vector<1x2048xf32>
    %add3A_157 = arith.addf %neg3A_150, %mul3A_156 : vector<1x2048xf32>
    %sub3A = arith.constant 5.000000e-01 : f32
    %sub3A_158 = vector.broadcast %sub3A : f32 to vector<1x2048xf32>
    %sub3A_159 = arith.subf %add3A_157, %sub3A_158 : vector<1x2048xf32>
    %swap3A_160 = arith.constant 0 : index
    %swap3A_161 = arith.constant 0 : index
    %swap3A_162 = vector.load %arg16[%swap3A_160, %swap3A_161] : memref<2x2048xf32, #tpu.memory_space<vmem>>, vector<1x2048xf32>
    tpu.vector_store %arg16[%swap3A_160, %swap3A_161], %sub3A_159 {strides = array<i32>} : memref<2x2048xf32, #tpu.memory_space<vmem>>, vector<1x2048xf32>,
    %log3A_163 = math.log %add3A_133 : vector<1x2048xf32>
    %neg3A_164 = arith.constant 0.000000e+00 : f32
    %neg3A_165 = vector.broadcast %neg3A_164 : f32 to vector<1x2048xf32>
    %neg3A_166 = arith.subf %neg3A_165, %log3A_163 : vector<1x2048xf32>
    %mul3A_167 = arith.mulf %add3A_133, %add3A_133 : vector<1x2048xf32>
    %mul3A_168 = arith.mulf %broadcast_in_dim3A_104, %broadcast_in_dim3A_104 : vector<1x2048xf32>
    %add3A_169 = arith.addf %mul3A_167, %mul3A_168 : vector<1x2048xf32>
    %mul3A_170 = arith.constant 5.000000e-01 : f32
    %mul3A_171 = vector.broadcast %mul3A_170 : f32 to vector<1x2048xf32>
    %mul3A_172 = arith.mulf %add3A_169, %mul3A_171 : vector<1x2048xf32>
    %add3A_173 = arith.addf %neg3A_166, %mul3A_172 : vector<1x2048xf32>
    %sub3A_174 = arith.constant 5.000000e-01 : f32
    %sub3A_175 = vector.broadcast %sub3A_174 : f32 to vector<1x2048xf32>
    %sub3A_176 = arith.subf %add3A_173, %sub3A_175 : vector<1x2048xf32>
    %swap3A_177 = arith.constant 1 : index
    %swap3A_178 = arith.constant 0 : index
    %swap3A_179 = vector.load %arg16[%swap3A_177, %swap3A_178] : memref<2x2048xf32, #tpu.memory_space<vmem>>, vector<1x2048xf32>
    tpu.vector_store %arg16[%swap3A_177, %swap3A_178], %sub3A_176 {strides = array<i32>} : memref<2x2048xf32, #tpu.memory_space<vmem>>, vector<1x2048xf32>,
    return
  }
  func.func @transform_0(%arg0: i32) -> (i32, i32) {
    %c0_i32 = arith.constant 0 : i32
    %c0_i32_0 = arith.constant 0 : i32
    return %c0_i32, %arg0 : i32, i32
  }
  func.func @transform_1(%arg0: i32) -> (i32, i32) {
    %c0_i32 = arith.constant 0 : i32
    %c0_i32_0 = arith.constant 0 : i32
    return %c0_i32, %arg0 : i32, i32
  }
  func.func @transform_2(%arg0: i32) -> (i32, i32) {
    %c0_i32 = arith.constant 0 : i32
    %c0_i32_0 = arith.constant 0 : i32
    return %c0_i32, %arg0 : i32, i32
  }
  func.func @transform_3(%arg0: i32) -> (i32, i32) {
    %c0_i32 = arith.constant 0 : i32
    %c0_i32_0 = arith.constant 0 : i32
    return %c0_i32, %arg0 : i32, i32
  }
  func.func @transform_4(%arg0: i32) -> (i32, i32) {
    %c0_i32 = arith.constant 0 : i32
    %c0_i32_0 = arith.constant 0 : i32
    return %c0_i32, %arg0 : i32, i32
  }
  func.func @transform_5(%arg0: i32) -> (i32, i32) {
    %c0_i32 = arith.constant 0 : i32
    %c0_i32_0 = arith.constant 0 : i32
    return %c0_i32, %arg0 : i32, i32
  }
  func.func @transform_6(%arg0: i32) -> (i32, i32) {
    %c0_i32 = arith.constant 0 : i32
    %c0_i32_0 = arith.constant 0 : i32
    return %c0_i32, %arg0 : i32, i32
  }
  func.func @transform_7(%arg0: i32) -> (i32, i32) {
    %c0_i32 = arith.constant 0 : i32
    %c0_i32_0 = arith.constant 0 : i32
    return %c0_i32, %arg0 : i32, i32
  }
  func.func @transform_8(%arg0: i32) -> (i32, i32) {
    %c0_i32 = arith.constant 0 : i32
    %c0_i32_0 = arith.constant 0 : i32
    return %c0_i32, %arg0 : i32, i32
  }
  func.func @transform_9(%arg0: i32) -> (i32, i32) {
    %c0_i32 = arith.constant 0 : i32
    %c0_i32_0 = arith.constant 0 : i32
    return %c0_i32, %arg0 : i32, i32
  }
  func.func @transform_10(%arg0: i32) -> (i32, i32) {
    %c0_i32 = arith.constant 0 : i32
    %c0_i32_0 = arith.constant 0 : i32
    return %c0_i32, %arg0 : i32, i32
  }
  func.func @transform_11(%arg0: i32) -> (i32, i32) {
    %c0_i32 = arith.constant 0 : i32
    %c0_i32_0 = arith.constant 0 : i32
    return %c0_i32, %arg0 : i32, i32
  }
  func.func @transform_12(%arg0: i32) -> (i32, i32) {
    %c0_i32 = arith.constant 0 : i32
    %c0_i32_0 = arith.constant 0 : i32
    return %c0_i32, %arg0 : i32, i32
  }
  func.func @transform_13(%arg0: i32) -> (i32, i32) {
    %c0_i32 = arith.constant 0 : i32
    %c0_i32_0 = arith.constant 0 : i32
    return %c0_i32, %arg0 : i32, i32
  }
  func.func @transform_14(%arg0: i32) -> (i32, i32) {
    %c0_i32 = arith.constant 0 : i32
    %c0_i32_0 = arith.constant 0 : i32
    return %c0_i32, %arg0 : i32, i32
  }
  func.func @transform_15(%arg0: i32) -> (i32, i32) {
    %c0_i32 = arith.constant 0 : i32
    %c0_i32_0 = arith.constant 0 : i32
    return %c0_i32, %arg0 : i32, i32
  }
}

</mosaic_0001>

<sc_bundles>
// kernel: kernel.6.cloned.1.call-start
scs
__scs_entry_jumppad:
0x0: {  	(pc) =	sbr.rel $0x88, $3  }
0x1: {  	(tag) =	ssettag $0x0;
	lr =	simm.s32 $0x1  }
0x2: {  	[smem:$0x3F9D] =	sst lr;
	_ =	strace $0xD0000000  }
0x3: {  	_ = 	snop  }
0x4: {  	_ = 	snop  }
0x5: {  	_ = 	snop  }
0x6: {  	_ = 	snop  }
0x7: {  	_ = 	snop  }
__scs_overlays_trampoline_lowered:
0x8: {  	[smem:$0x3FAC] =	sst s0  }
0x9: {  	[smem:$0x3FAD] =	sst s1  }
0xa: {  	[smem:$0x3FAE] =	sst s2  }
0xb: {  	[smem:$0x3FAF] =	sst s3  }
0xc: {  	[smem:$0x3FB0] =	sst s4  }
0xd: {  	[smem:$0x3FB1] =	sst s5  }
0xe: {  	[smem:$0x3FB2] =	sst s6  }
0xf: {  	[smem:$0x3FB3] =	sst s7  }
0x10: {  	[smem:$0x3FB4] =	sst s8  }
0x11: {  	[smem:$0x3FB5] =	sst s9;
	s0 =	simm.s32 @!p0 $0x0  }
0x12: {  	s1 =	sld [smem:$0x3F9B];
	s0 =	simm.s32 @p0 $0x1  }
0x13: {  	[smem:$0x3FB6] =	sst s0;
	s0 =	simm.s32 @!p1 $0x0  }
0x14: {  	s2 =	sld [smem:$0x3F9A];
	s0 =	simm.s32 @p1 $0x1  }
0x15: {  	[smem:$0x3FB7] =	sst s0;
	s0 =	simm.s32 @!p2 $0x0  }
0x16: {  	s3 =	sld [smem:$0x3FDB];
	s0 =	simm.s32 @p2 $0x1  }
0x17: {  	s4 =	simm.s32 $0x1BF5;
	[smem:$0x3FB9] =	sst s0  }
0x18: {  	s0 =	sld [smem:$0x3F9C];
	_ =	swait.ge [sflag:s4], $0x0  }
0x19: {  	s7 =	sld [smem:$0x3F9D]  }
0x1a: {  	s8 =	sadd.s32 $0xFFFFE003, lr  }
0x1b: {  	s9 =	sadd.s32 $0xFFFFFEF7, lr;
	s5 =	simm.s32 $0xFFFFFFFF;
	p2 =	slt.u32 s8, $0xFFFFF086  }
0x1c: {  	p1 =	slt.u32 s9, $0xF7A;
	s5 =	simm.s32 @!p2 $0x0  }
0x1d: {  	s5 =	simm.s32 @p1 $0x1;
	p0 =	seq.s32 s7, s2  }
0x1e: {  	s7 =	smul.u32 @!p0 $0xF7A, s2;
	p2 =	seq.s32 @!p0 s5, $0x0  }
0x1f: {  	s9 =	smul.u32 $0xF7A, s1;
	s8 =	simm.s32 @!p0 $0x1BF5;
	p2 =	por !p2, p0  }
0x20: {  	[sflag:s8] =	ssyncset.s32 @!p0 $0xFFFFF086;
	s6 =	sadd.s32 @!p0 s3, s7;
	s7 =	simm.s32 @!p0 $0x108  }
0x21: {  	s3 =	sadd.s32 s3, s9;
	s6 =	sadd.s32 @!p0 $0x88, s6;
	s7 =	simm.s32 @p2 $0x1082  }
0x22: {  	[simem:s7], [sflag:s8] =	dma.local @!p0 [hbm:s6], $0xF7A  }
0x23: {  	s9 =	sor.u32 $0xD0000000, s2;
	s6 =	simm.s32 $0x108;
	_ =	swait.ge @!p0 [sflag:s8], $0x0  }
0x24: {  	s3 =	sadd.s32 $0x88, s3;
	s6 =	simm.s32 @!p1 $0x1082;
	[sflag:s4] =	ssyncset.s32 $0xFFFFF086  }
0x25: {  	[simem:s6], [sflag:s4] =	dma.local [hbm:s3], $0xF7A  }
0x26: {  	[smem:$0x3F9D] =	sst s1;
	(tag) =	ssettag s2;
	_ =	strace s9  }
0x27: {  	s1 =	sld [smem:$0x3FAD]  }
0x28: {  	s2 =	sld [smem:$0x3FAE]  }
0x29: {  	s4 =	sld [smem:$0x3FB0]  }
0x2a: {  	p0 =	seq.s32 s5, $0x0;
	s5 =	sld [smem:$0x3FB1]  }
0x2b: {  	s6 =	sld [smem:$0x3FB2]  }
0x2c: {  	s7 =	sld [smem:$0x3FB3]  }
0x2d: {  	s3 =	simm.s32 $0x108;
	s8 =	sld [smem:$0x3FB4]  }
0x2e: {  	s3 =	simm.s32 @!p0 $0x1082;
	s9 =	sld [smem:$0x3FB5]  }
0x2f: {  	lr =	sadd.s32 s0, s3;
	s0 =	sld [smem:$0x3FAC]  }
0x30: {  	s3 =	sld [smem:$0x3FAF]  }
0x31: {  	[smem:$0x3FB8] =	sst s10  }
0x32: {  	s10 =	sld [smem:$0x3FB6];
	_ =	sdelay $0x3  }
0x33: {  	p0 =	seq.s32 s10, $0x1;
	s10 =	sld [smem:$0x3FB8];
	_ =	sdelay $0x3  }
0x34: {  	[smem:$0x3FB8] =	sst s10  }
0x35: {  	s10 =	sld [smem:$0x3FB7];
	_ =	sdelay $0x3  }
0x36: {  	p1 =	seq.s32 s10, $0x1;
	s10 =	sld [smem:$0x3FB8];
	_ =	sdelay $0x3  }
0x37: {  	[smem:$0x3FB8] =	sst s10  }
0x38: {  	s10 =	sld [smem:$0x3FB9]  }
0x39: {  	_ = 	snop;
	(pc) =	sbr.ind lr, $3  }
0x3a: {  	_ = 	snop  }
0x3b: {  	_ = 	snop  }
0x3c: {  	p2 =	seq.s32 s10, $0x1;
	s10 =	sld [smem:$0x3FB8]  }
0x3d: {  	_ =	shalt  }
0x3e: {  	_ =	shalt  }
0x3f: {  	_ =	shalt  }
0x40: {  	_ =	shalt  }
0x41: {  	_ =	shalt  }
0x42: {  	_ =	shalt  }
0x43: {  	_ =	shalt  }
0x44: {  	_ =	shalt  }
0x45: {  	_ =	shalt  }
0x46: {  	_ =	shalt  }
0x47: {  	_ =	shalt  }
0x48: {  	_ =	shalt  }
0x49: {  	_ =	shalt  }
0x4a: {  	_ =	shalt  }
0x4b: {  	_ =	shalt  }
0x4c: {  	_ =	shalt  }
0x4d: {  	_ =	shalt  }
0x4e: {  	_ =	shalt  }
0x4f: {  	_ =	shalt  }
0x50: {  	_ =	shalt  }
0x51: {  	_ =	shalt  }
0x52: {  	_ =	shalt  }
0x53: {  	_ =	shalt  }
0x54: {  	_ =	shalt  }
0x55: {  	_ =	shalt  }
0x56: {  	_ =	shalt  }
0x57: {  	_ =	shalt  }
0x58: {  	_ =	shalt  }
0x59: {  	_ =	shalt  }
0x5a: {  	_ =	shalt  }
0x5b: {  	_ =	shalt  }
0x5c: {  	_ =	shalt  }
0x5d: {  	_ =	shalt  }
0x5e: {  	_ =	shalt  }
0x5f: {  	_ =	shalt  }
0x60: {  	_ =	shalt  }
0x61: {  	_ =	shalt  }
0x62: {  	_ =	shalt  }
0x63: {  	_ =	shalt  }
0x64: {  	_ =	shalt  }
0x65: {  	_ =	shalt  }
0x66: {  	_ =	shalt  }
0x67: {  	_ =	shalt  }
0x68: {  	_ =	shalt  }
0x69: {  	_ =	shalt  }
0x6a: {  	_ =	shalt  }
0x6b: {  	_ =	shalt  }
0x6c: {  	_ =	shalt  }
0x6d: {  	_ =	shalt  }
0x6e: {  	_ =	shalt  }
0x6f: {  	_ =	shalt  }
0x70: {  	_ =	shalt  }
0x71: {  	_ =	shalt  }
0x72: {  	_ =	shalt  }
0x73: {  	_ =	shalt  }
0x74: {  	_ =	shalt  }
0x75: {  	_ =	shalt  }
0x76: {  	_ =	shalt  }
0x77: {  	_ =	shalt  }
0x78: {  	_ =	shalt  }
0x79: {  	_ =	shalt  }
0x7a: {  	_ =	shalt  }
0x7b: {  	_ =	shalt  }
0x7c: {  	_ =	shalt  }
0x7d: {  	_ =	shalt  }
0x7e: {  	_ =	shalt  }
0x7f: {  	_ =	shalt  }
0x80: {  	_ =	shalt  }
0x81: {  	_ =	shalt  }
0x82: {  	_ =	shalt  }
0x83: {  	_ =	shalt  }
0x84: {  	_ =	shalt  }
0x85: {  	_ =	shalt  }
0x86: {  	_ =	shalt  }
0x87: {  	_ =	shalt  }
.Lfunc_end0:
.L_simem_size_0:
called_computation_lowered:
.L_overlay_start_0:
0x88: {  	s2 =	sld [smem:$0x3FD9]  }
0x89: {  	s3 =	sld [smem:$0x3FFE];
	_ =	sdelay $0x1  }
0x8a: {  	s1 =	srdreg.scid  }
0x8b: {  	s0 =	sand.u32 $0x1, s1  }
0x8c: {  	s16 =	sshll.u32 s0, $0xA;
	s2 =	sadd.s32 s3, s2  }
0x8d: {  	s2 =	sadd.s32 s2, s16  }
0x8e: {  	[smem:$0x3FC4] =	sst s2  }
0x8f: {  	_ = 	snop  }
0x90: {  	(tm) =	ssettm $0x1  }
0x91: {  	s17 =	sld [smem:$0x3FFB];
	_ =	sdelay $0x3  }
0x92: {  	_ =	strace s17  }
0x93: {  	s2 =	sld [smem:$0x3FFC];
	_ =	sdelay $0x3  }
0x94: {  	_ =	strace s2  }
0x95: {  	s2 =	sld [smem:$0x3FFD];
	_ =	sdelay $0x3  }
0x96: {  	_ =	strace s2  }
0x97: {  	_ =	strace $0x8FFFFFFF  }
0x98: {  	s18 =	sld [smem:$0x3FDB];
	_ =	sdelay $0x1  }
0x99: {  	s19 =	simm.s32 $_scs_section_size  }
0x9a: {  	s4 =	simm.s32 $_size__tile_overlayer_lowered;
	s5 =	simm.s32 $_tile_overlayer_lowered  }
0x9b: {  	s22 =	simm.s32 $0x1BFF;
	s21 =	sshll.u32 s5, $0x1;
	s2 =	sadd.s32 s19, s18  }
0x9c: {  	s6 =	simm.s32 $0x0;
	s20 =	sshll.u32 s4, $0x1;
	s4 =	sadd.s32 s21, s2  }
0x9d: {  	[timem:s6], [sflag:s22] =	dma.local [hbm:s4], s20  }
0x9e: {  	_ =	swait.ge [sflag:s22], s20  }
0x9f: {  	s3 =	ssub.s32 $0x0, s20;
	[sflag:s22] =	ssyncset.done $0x0  }
0xa0: {  	[sflag:s22] =	ssyncadd.s32 s3;
	_ =	sdelay $0x1  }
0xa1: {  	s23 =	simm.s32 $0x1B8B  }
0xa2: {  	_ =	swait.ge [sflag:s23], $0x1  }
0xa3: {  	[sflag:s23] =	ssyncset.done $0x0  }
0xa4: {  	s25 =	simm.s32 $0x1B8E;
	s24 =	sld [smem:$0x3FFE];
	[sflag:s23] =	ssyncadd.s32 $0xFFFFFFFF  }
0xa5: {  	s26 =	simm.s32 $execute0_lowered;
	[smem:$0x3FD2] =	sst s25  }
0xa6: {  	s4 =	sshll.u32 s26, $0x1;
	_ =	strace $0x80000046;
	[dreg:$0x1] =	wrdreg $0xFFFFFFFF  }
0xa7: {  	s28 =	simm.s32 $_size_execute0_lowered;
	s2 =	sadd.s32 s2, s4;
	[dreg:$0x0] =	wrdreg $0x0  }
0xa8: {  	s4 =	sshll.u32 s28, $0x1;
	[dreg:$0x2] =	wrdreg s2  }
0xa9: {  	[dreg:$0x3] =	wrdreg s4  }
0xaa: {  	[dreg:$0x4] =	wrdreg $0xC0  }
0xab: {  	_ =	task [dreg:s6], $0x5FFFF  }
0xac: {  	[dreg:$0x1] =	wrdreg $0xFFFFFFFF  }
0xad: {  	[dreg:$0x0] =	wrdreg $0x60  }
0xae: {  	[dreg:$0x2] =	wrdreg s24  }
0xaf: {  	[dreg:$0x3] =	wrdreg $0x9  }
0xb0: {  	_ =	task.clear_ibuf [dreg:s6], $0x4FFFF;
	_ =	strace $0x90000046  }
0xb1: {  	s29 =	simm.s32 $0x9;
	_ =	strace $0x80000048  }
0xb2: {  	_ =	swait.ge [sflag:s29], $0x1  }
0xb3: {  	[sflag:s29] =	ssyncadd.s32 $0xFFFFFFFF  }
0xb4: {  	_ =	strace $0x90000048  }
0xb5: {  	_ =	sfence  }
0xb6: {  	s30 =	sld [smem:$0x0];
	_ =	sdelay $0x2  }
0xb7: {  	s31 =	sshll.u32 s1, $0xD;
	s1 =	sshrl.u32 s1, $0x2  }
0xb8: {  	s3 =	sand.u32 $0x4000, s31;
	s1 =	sadd.s32 s1, s30  }
0xb9: {  	s0 =	sor.u32 s3, s0;
	s1 =	sshll.u32 s1, $0x11  }
0xba: {  	s0 =	sor.u32 s1, s0  }
0xbb: {  	s0 =	sadd.s32 $0x8F2B, s0  }
0xbc: {  	[sflag:s0] =	ssyncadd.remote.s32 $0x1  }
0xbd: {  	_ =	sfence.sel $0xFFFF  }
0xbe: {  	[dreg:$0x0] =	wrdreg $0xFFFFFFFF;
	(pc) =	sbr.abs _section_cstart, $3  }
0xbf: {  	[dreg:$0x1] =	wrdreg $0xFFFFFFFF  }
0xc0: {  	_ =	task.clear_ibuf [dreg:s6], $0x2FFFF;
	_ =	strace $0x9FFFFFFF  }
0xc1: {  	(tm) =	ssettm $0x7FFFFFFF  }
tec
execute0_lowered:
.L_overlay_start_1:
0x0: {  	(tag) =	ssettag $0x1  }
0x1: {  	s1 =	srdreg.scid  }
0x2: {  	s0 =	stileid.u32;
	s20 =	sand.u32 $0x1, s1  }
0x3: {  	s30 =	sshll.u32 s0, $0xA;
	s2 =	sshll.u32 s20, $0x9  }
0x4: {  	s16 =	rddreg [dreg:$0x0];
	s17 =	sor.u32 s2, s30  }
0x5: {  	s1 =	rddreg [dreg:$0x1];
	s2 =	simm.s32 $0x0;
	s3 =	sshrl.u32 s17, $0x3  }
0x6: {  	[smem:$0x7FF] =	sst s2;
	s5 =	sadd.s32 s3, s16  }
0x7: {  	_ =	strace $0x80000047;
	s3 =	simm.s32 $0x2;
	s4 =	sadd.s32 $0x2600, s5  }
0x8: {  	[tilespmem:s2], [sflag:$0x2] =	stream.linear.gather [hbm4b:s4+s2], $0x200, $0x38;
	[tilespmem:$0x10400] =	vst v63  }
0x9: {  	_ =	swait.ge [sflag:s3], $0x200  }
0xa: {  	[sflag:s3] =	ssyncset.done $0x0  }
0xb: {  	s6 =	simm.s32 $0x200;
	s5 =	sadd.s32 $0x2E00, s5;
	[sflag:s3] =	ssyncadd.s32 $0xFFFFFE00  }
0xc: {  	[tilespmem:s6], [sflag:$0x2] =	stream.linear.gather [hbm4b:s5+s2], $0x200, $0x38;
	[tilespmem:$0x10400] =	vst v63  }
0xd: {  	_ =	swait.ge [sflag:s3], $0x200  }
0xe: {  	s8 =	simm.s32 $0x80;
	[sflag:s3] =	ssyncset.done $0x0  }
0xf: {  	s9 =	simm.s32 $0x400;
	s7 =	sadd.s32 $0x5600, s16;
	[sflag:s3] =	ssyncadd.s32 $0xFFFFFE00  }
0x10: {  	[tilespmem:s9], [sflag:$0x1] =	stream.indirect.gather [hbm4b:s7+s8], $0x80, s2, s8, $0xb8;
	[tilespmem:$0x10400] =	vst v63  }
0x11: {  	s10 =	simm.s32 $0x4400  }
0x12: {  	[tilespmem:s10], [sflag:$0x1] =	stream.indirect.gather [hbm4b:s7+s8], $0x80, s8, s8, $0xb8;
	[tilespmem:$0x10400] =	vst v63  }
0x13: {  	s11 =	simm.s32 $0x100;
	s12 =	simm.s32 $0x8400  }
0x14: {  	[tilespmem:s12], [sflag:$0x1] =	stream.indirect.gather [hbm4b:s7+s8], $0x80, s11, s8, $0xb8;
	[tilespmem:$0x10400] =	vst v63  }
0x15: {  	s13 =	simm.s32 $0x180;
	s14 =	simm.s32 $0xC400;
	s15 =	simm.s32 $0x1  }
0x16: {  	[tilespmem:s14], [sflag:$0x1] =	stream.indirect.gather [hbm4b:s7+s8], $0x80, s13, s8, $0xb8;
	[tilespmem:$0x10400] =	vst v63  }
0x17: {  	_ =	swait.ge [sflag:s15], $0x4000  }
0x18: {  	[sflag:s15] =	ssyncset.done $0x0  }
0x19: {  	[sflag:s15] =	ssyncadd.s32 $0xFFFFC000  }
0x1a: {  	_ =	swait.ge [sflag:s15], $0x4000  }
0x1b: {  	[sflag:s15] =	ssyncset.done $0x0  }
0x1c: {  	[sflag:s15] =	ssyncadd.s32 $0xFFFFC000  }
0x1d: {  	_ =	swait.ge [sflag:s15], $0x4000  }
0x1e: {  	[sflag:s15] =	ssyncset.done $0x0  }
0x1f: {  	[sflag:s15] =	ssyncadd.s32 $0xFFFFC000  }
0x20: {  	s17 =	sshll.u32 s17, $0x4;
	_ =	swait.ge [sflag:s15], $0x4000  }
0x21: {  	s21 =	sadd.s32 s17, s16;
	[sflag:s15] =	ssyncset.done $0x0  }
0x22: {  	s16 =	sadd.s32 $0x7C5600, s21;
	[sflag:s15] =	ssyncadd.s32 $0xFFFFC000  }
0x23: {  	[hbm4b:s16+s2] =	stream.linear.scatter [tilespmem:s9], [sflag:$0x2], $0x10000, $0x38;
	[tilespmem:$0x10400] =	vst v63  }
0x24: {  	_ =	swait.ge [sflag:s3], $0x10000  }
0x25: {  	[sflag:s3] =	ssyncset.done $0x0  }
0x26: {  	[sflag:s3] =	ssyncadd.s32 $0xFFFF0000  }
0x27: {  	[tilespmem:s9], [sflag:$0x1] =	stream.indirect.gather [hbm4b:s7+s8], $0x80, s6, s8, $0xb8;
	[tilespmem:$0x10400] =	vst v63  }
0x28: {  	s17 =	simm.s32 $0x280  }
0x29: {  	[tilespmem:s10], [sflag:$0x1] =	stream.indirect.gather [hbm4b:s7+s8], $0x80, s17, s8, $0xb8;
	[tilespmem:$0x10400] =	vst v63  }
0x2a: {  	s18 =	simm.s32 $0x300  }
0x2b: {  	[tilespmem:s12], [sflag:$0x1] =	stream.indirect.gather [hbm4b:s7+s8], $0x80, s18, s8, $0xb8;
	[tilespmem:$0x10400] =	vst v63  }
0x2c: {  	s19 =	simm.s32 $0x380  }
0x2d: {  	[tilespmem:s14], [sflag:$0x1] =	stream.indirect.gather [hbm4b:s7+s8], $0x80, s19, s8, $0xb8;
	[tilespmem:$0x10400] =	vst v63  }
0x2e: {  	_ =	swait.ge [sflag:s15], $0x4000  }
0x2f: {  	[sflag:s15] =	ssyncset.done $0x0  }
0x30: {  	[sflag:s15] =	ssyncadd.s32 $0xFFFFC000  }
0x31: {  	_ =	swait.ge [sflag:s15], $0x4000  }
0x32: {  	[sflag:s15] =	ssyncset.done $0x0  }
0x33: {  	s20 =	ssub.s32 $0x2, s20;
	[sflag:s15] =	ssyncadd.s32 $0xFFFFC000  }
0x34: {  	s22 =	sshrl.u32 s20, $0x1;
	_ =	swait.ge [sflag:s15], $0x4000  }
0x35: {  	s22 =	ssub.s32 s20, s22;
	[sflag:s15] =	ssyncset.done $0x0  }
0x36: {  	s31 =	smax.u32 s22, $0x1;
	[sflag:s15] =	ssyncadd.s32 $0xFFFFC000  }
0x37: {  	p0 =	sne.s32 s31, $0x1;
	_ =	swait.ge [sflag:s15], $0x4000  }
.Ltmp0:
0x38: {  	[sflag:s15] =	ssyncset.done $0x0;
	(pc) =	sbr.rel @!p0 .LBB2_2-.Ltmp0, $4  }
0x39: {  	s20 =	sadd.s32 $0x805600, s21;
	[sflag:s15] =	ssyncadd.s32 $0xFFFFC000  }
0x3a: {  	[hbm4b:s20+s2] =	stream.linear.scatter [tilespmem:s9], [sflag:$0x2], $0x10000, $0x38;
	[tilespmem:$0x10400] =	vst v63  }
0x3b: {  	_ =	swait.ge [sflag:s3], $0x10000  }
0x3c: {  	s21 =	sadd.s32 $0xFFFFFFFF, s31;
	[sflag:s3] =	ssyncset.done $0x0  }
.LBB2_1:
0x3d: {  	p0 =	sne.s32 s21, $0x1;
	s21 =	sadd.s32 $0xFFFFFFFF, s21;
	[sflag:s3] =	ssyncadd.s32 $0xFFFF0000  }
0x3e: {  	[tilespmem:s2], [sflag:$0x2] =	stream.linear.gather [hbm4b:s4+s2], $0x200, $0x38;
	[tilespmem:$0x10400] =	vst v63  }
0x3f: {  	_ =	swait.ge [sflag:s3], $0x200  }
0x40: {  	[sflag:s3] =	ssyncset.done $0x0  }
0x41: {  	[sflag:s3] =	ssyncadd.s32 $0xFFFFFE00  }
0x42: {  	[tilespmem:s6], [sflag:$0x2] =	stream.linear.gather [hbm4b:s5+s2], $0x200, $0x38;
	[tilespmem:$0x10400] =	vst v63  }
0x43: {  	_ =	swait.ge [sflag:s3], $0x200  }
0x44: {  	[sflag:s3] =	ssyncset.done $0x0  }
0x45: {  	[sflag:s3] =	ssyncadd.s32 $0xFFFFFE00  }
0x46: {  	[tilespmem:s9], [sflag:$0x1] =	stream.indirect.gather [hbm4b:s7+s8], $0x80, s2, s8, $0xb8;
	[tilespmem:$0x10400] =	vst v63  }
0x47: {  	_ = 	snop  }
0x48: {  	[tilespmem:s10], [sflag:$0x1] =	stream.indirect.gather [hbm4b:s7+s8], $0x80, s8, s8, $0xb8;
	[tilespmem:$0x10400] =	vst v63  }
0x49: {  	_ = 	snop  }
0x4a: {  	[tilespmem:s12], [sflag:$0x1] =	stream.indirect.gather [hbm4b:s7+s8], $0x80, s11, s8, $0xb8;
	[tilespmem:$0x10400] =	vst v63  }
0x4b: {  	_ = 	snop  }
0x4c: {  	[tilespmem:s14], [sflag:$0x1] =	stream.indirect.gather [hbm4b:s7+s8], $0x80, s13, s8, $0xb8;
	[tilespmem:$0x10400] =	vst v63  }
0x4d: {  	_ =	swait.ge [sflag:s15], $0x4000  }
0x4e: {  	[sflag:s15] =	ssyncset.done $0x0  }
0x4f: {  	[sflag:s15] =	ssyncadd.s32 $0xFFFFC000  }
0x50: {  	_ =	swait.ge [sflag:s15], $0x4000  }
0x51: {  	[sflag:s15] =	ssyncset.done $0x0  }
0x52: {  	[sflag:s15] =	ssyncadd.s32 $0xFFFFC000  }
0x53: {  	_ =	swait.ge [sflag:s15], $0x4000  }
0x54: {  	[sflag:s15] =	ssyncset.done $0x0  }
0x55: {  	[sflag:s15] =	ssyncadd.s32 $0xFFFFC000  }
0x56: {  	_ =	swait.ge [sflag:s15], $0x4000  }
0x57: {  	[sflag:s15] =	ssyncset.done $0x0  }
0x58: {  	[sflag:s15] =	ssyncadd.s32 $0xFFFFC000  }
0x59: {  	[hbm4b:s16+s2] =	stream.linear.scatter [tilespmem:s9], [sflag:$0x2], $0x10000, $0x38;
	[tilespmem:$0x10400] =	vst v63  }
0x5a: {  	_ =	swait.ge [sflag:s3], $0x10000  }
0x5b: {  	[sflag:s3] =	ssyncset.done $0x0  }
0x5c: {  	[sflag:s3] =	ssyncadd.s32 $0xFFFF0000  }
0x5d: {  	[tilespmem:s9], [sflag:$0x1] =	stream.indirect.gather [hbm4b:s7+s8], $0x80, s6, s8, $0xb8;
	[tilespmem:$0x10400] =	vst v63  }
0x5e: {  	_ = 	snop  }
0x5f: {  	[tilespmem:s10], [sflag:$0x1] =	stream.indirect.gather [hbm4b:s7+s8], $0x80, s17, s8, $0xb8;
	[tilespmem:$0x10400] =	vst v63  }
0x60: {  	_ = 	snop  }
0x61: {  	[tilespmem:s12], [sflag:$0x1] =	stream.indirect.gather [hbm4b:s7+s8], $0x80, s18, s8, $0xb8;
	[tilespmem:$0x10400] =	vst v63  }
0x62: {  	_ = 	snop  }
0x63: {  	[tilespmem:s14], [sflag:$0x1] =	stream.indirect.gather [hbm4b:s7+s8], $0x80, s19, s8, $0xb8;
	[tilespmem:$0x10400] =	vst v63  }
0x64: {  	_ =	swait.ge [sflag:s15], $0x4000  }
0x65: {  	[sflag:s15] =	ssyncset.done $0x0  }
0x66: {  	[sflag:s15] =	ssyncadd.s32 $0xFFFFC000  }
0x67: {  	_ =	swait.ge [sflag:s15], $0x4000  }
0x68: {  	[sflag:s15] =	ssyncset.done $0x0  }
0x69: {  	[sflag:s15] =	ssyncadd.s32 $0xFFFFC000  }
0x6a: {  	_ =	swait.ge [sflag:s15], $0x4000  }
0x6b: {  	[sflag:s15] =	ssyncset.done $0x0  }
0x6c: {  	[sflag:s15] =	ssyncadd.s32 $0xFFFFC000  }
0x6d: {  	_ =	swait.ge [sflag:s15], $0x4000  }
.Ltmp1:
0x6e: {  	[sflag:s15] =	ssyncset.done $0x0;
	(pc) =	sbr.rel @p0 .LBB2_1-.Ltmp1, $4  }
0x6f: {  	[sflag:s15] =	ssyncadd.s32 $0xFFFFC000  }
0x70: {  	[hbm4b:s20+s2] =	stream.linear.scatter [tilespmem:s9], [sflag:$0x2], $0x10000, $0x38;
	[tilespmem:$0x10400] =	vst v63  }
0x71: {  	_ =	swait.ge [sflag:s3], $0x10000  }
0x72: {  	[sflag:s3] =	ssyncset.done $0x0  }
.LBB2_2:
0x73: {  	[sflag:s3] =	ssyncadd.s32 $0xFFFF0000  }
0x74: {  	_ =	sfence.sel $0x180000  }
0x75: {  	[bflag:$0x0] =	sbarrier.arrive $0xFFFF  }
0x76: {  	p0 =	sne.s32 s0, $0x0;
	_ =	strace $0x90000047  }
0x77: {  	s0 =	sadd.s32 @!p0 $0x100000, s1;
	[bflag:$0x2] =	sbarrier.arrive $0xFFFF  }
0x78: {  	[sflag:s0] =	ssyncadd.tile.s32 @!p0 $0x1;
	_ =	shalt  }
.Lfunc_end2:
_tile_overlayer_lowered:
.L_overlay_start_2:
0x79: {  	(tag) =	ssettag $0x2  }
0x7a: {  	s0 =	rddreg [dreg:$0x0];
	s2 =	stileid.u32  }
0x7b: {  	s1 =	rddreg [dreg:$0x1];
	p0 =	sne.s32 s2, $0x0  }
0x7c: {  	s3 =	rddreg [dreg:$0x2];
	[bflag:$0x3] =	sbarrier.arrive $0xFFFF;
	s2 =	simm.s32 @!p0 $0x1C02  }
0x7d: {  	[timem:s3], [sflag:s2] =	dma.local @!p0 [hbm:s0], s1  }
0x7e: {  	s0 =	simm.s32 @!p0 $0x2  }
0x7f: {  	_ =	swait.ge @!p0 [sflag:s0], s1  }
0x80: {  	s1 =	ssub.s32 @!p0 $0x0, s1;
	[sflag:s0] =	ssyncset.done @!p0 $0x0  }
0x81: {  	[sflag:s0] =	ssyncadd.s32 @!p0 s1  }
0x82: {  	[bflag:$0x3] =	sbarrier.arrive $0xFFFF  }
0x83: {  	_ =	shalt  }

// kernel: kernel.9.cloned.1.call-start
scs
__scs_entry_jumppad:
0x0: {  	(pc) =	sbr.rel $0x88, $3  }
0x1: {  	(tag) =	ssettag $0x0;
	lr =	simm.s32 $0x1  }
0x2: {  	[smem:$0x3F9D] =	sst lr;
	_ =	strace $0xD0000000  }
0x3: {  	_ = 	snop  }
0x4: {  	_ = 	snop  }
0x5: {  	_ = 	snop  }
0x6: {  	_ = 	snop  }
0x7: {  	_ = 	snop  }
__scs_overlays_trampoline_lowered:
0x8: {  	[smem:$0x3FAC] =	sst s0  }
0x9: {  	[smem:$0x3FAD] =	sst s1  }
0xa: {  	[smem:$0x3FAE] =	sst s2  }
0xb: {  	[smem:$0x3FAF] =	sst s3  }
0xc: {  	[smem:$0x3FB0] =	sst s4  }
0xd: {  	[smem:$0x3FB1] =	sst s5  }
0xe: {  	[smem:$0x3FB2] =	sst s6  }
0xf: {  	[smem:$0x3FB3] =	sst s7  }
0x10: {  	[smem:$0x3FB4] =	sst s8  }
0x11: {  	[smem:$0x3FB5] =	sst s9;
	s0 =	simm.s32 @!p0 $0x0  }
0x12: {  	s1 =	sld [smem:$0x3F9B];
	s0 =	simm.s32 @p0 $0x1  }
0x13: {  	[smem:$0x3FB6] =	sst s0;
	s0 =	simm.s32 @!p1 $0x0  }
0x14: {  	s2 =	sld [smem:$0x3F9A];
	s0 =	simm.s32 @p1 $0x1  }
0x15: {  	[smem:$0x3FB7] =	sst s0;
	s0 =	simm.s32 @!p2 $0x0  }
0x16: {  	s3 =	sld [smem:$0x3FDB];
	s0 =	simm.s32 @p2 $0x1  }
0x17: {  	s4 =	simm.s32 $0x1BF5;
	[smem:$0x3FB9] =	sst s0  }
0x18: {  	s0 =	sld [smem:$0x3F9C];
	_ =	swait.ge [sflag:s4], $0x0  }
0x19: {  	s7 =	sld [smem:$0x3F9D]  }
0x1a: {  	s8 =	sadd.s32 $0xFFFFE003, lr  }
0x1b: {  	s9 =	sadd.s32 $0xFFFFFEF7, lr;
	s5 =	simm.s32 $0xFFFFFFFF;
	p2 =	slt.u32 s8, $0xFFFFF086  }
0x1c: {  	p1 =	slt.u32 s9, $0xF7A;
	s5 =	simm.s32 @!p2 $0x0  }
0x1d: {  	s5 =	simm.s32 @p1 $0x1;
	p0 =	seq.s32 s7, s2  }
0x1e: {  	s7 =	smul.u32 @!p0 $0xF7A, s2;
	p2 =	seq.s32 @!p0 s5, $0x0  }
0x1f: {  	s9 =	smul.u32 $0xF7A, s1;
	s8 =	simm.s32 @!p0 $0x1BF5;
	p2 =	por !p2, p0  }
0x20: {  	[sflag:s8] =	ssyncset.s32 @!p0 $0xFFFFF086;
	s6 =	sadd.s32 @!p0 s3, s7;
	s7 =	simm.s32 @!p0 $0x108  }
0x21: {  	s3 =	sadd.s32 s3, s9;
	s6 =	sadd.s32 @!p0 $0x88, s6;
	s7 =	simm.s32 @p2 $0x1082  }
0x22: {  	[simem:s7], [sflag:s8] =	dma.local @!p0 [hbm:s6], $0xF7A  }
0x23: {  	s9 =	sor.u32 $0xD0000000, s2;
	s6 =	simm.s32 $0x108;
	_ =	swait.ge @!p0 [sflag:s8], $0x0  }
0x24: {  	s3 =	sadd.s32 $0x88, s3;
	s6 =	simm.s32 @!p1 $0x1082;
	[sflag:s4] =	ssyncset.s32 $0xFFFFF086  }
0x25: {  	[simem:s6], [sflag:s4] =	dma.local [hbm:s3], $0xF7A  }
0x26: {  	[smem:$0x3F9D] =	sst s1;
	(tag) =	ssettag s2;
	_ =	strace s9  }
0x27: {  	s1 =	sld [smem:$0x3FAD]  }
0x28: {  	s2 =	sld [smem:$0x3FAE]  }
0x29: {  	s4 =	sld [smem:$0x3FB0]  }
0x2a: {  	p0 =	seq.s32 s5, $0x0;
	s5 =	sld [smem:$0x3FB1]  }
0x2b: {  	s6 =	sld [smem:$0x3FB2]  }
0x2c: {  	s7 =	sld [smem:$0x3FB3]  }
0x2d: {  	s3 =	simm.s32 $0x108;
	s8 =	sld [smem:$0x3FB4]  }
0x2e: {  	s3 =	simm.s32 @!p0 $0x1082;
	s9 =	sld [smem:$0x3FB5]  }
0x2f: {  	lr =	sadd.s32 s0, s3;
	s0 =	sld [smem:$0x3FAC]  }
0x30: {  	s3 =	sld [smem:$0x3FAF]  }
0x31: {  	[smem:$0x3FB8] =	sst s10  }
0x32: {  	s10 =	sld [smem:$0x3FB6];
	_ =	sdelay $0x3  }
0x33: {  	p0 =	seq.s32 s10, $0x1;
	s10 =	sld [smem:$0x3FB8];
	_ =	sdelay $0x3  }
0x34: {  	[smem:$0x3FB8] =	sst s10  }
0x35: {  	s10 =	sld [smem:$0x3FB7];
	_ =	sdelay $0x3  }
0x36: {  	p1 =	seq.s32 s10, $0x1;
	s10 =	sld [smem:$0x3FB8];
	_ =	sdelay $0x3  }
0x37: {  	[smem:$0x3FB8] =	sst s10  }
0x38: {  	s10 =	sld [smem:$0x3FB9]  }
0x39: {  	_ = 	snop;
	(pc) =	sbr.ind lr, $3  }
0x3a: {  	_ = 	snop  }
0x3b: {  	_ = 	snop  }
0x3c: {  	p2 =	seq.s32 s10, $0x1;
	s10 =	sld [smem:$0x3FB8]  }
0x3d: {  	_ =	shalt  }
0x3e: {  	_ =	shalt  }
0x3f: {  	_ =	shalt  }
0x40: {  	_ =	shalt  }
0x41: {  	_ =	shalt  }
0x42: {  	_ =	shalt  }
0x43: {  	_ =	shalt  }
0x44: {  	_ =	shalt  }
0x45: {  	_ =	shalt  }
0x46: {  	_ =	shalt  }
0x47: {  	_ =	shalt  }
0x48: {  	_ =	shalt  }
0x49: {  	_ =	shalt  }
0x4a: {  	_ =	shalt  }
0x4b: {  	_ =	shalt  }
0x4c: {  	_ =	shalt  }
0x4d: {  	_ =	shalt  }
0x4e: {  	_ =	shalt  }
0x4f: {  	_ =	shalt  }
0x50: {  	_ =	shalt  }
0x51: {  	_ =	shalt  }
0x52: {  	_ =	shalt  }
0x53: {  	_ =	shalt  }
0x54: {  	_ =	shalt  }
0x55: {  	_ =	shalt  }
0x56: {  	_ =	shalt  }
0x57: {  	_ =	shalt  }
0x58: {  	_ =	shalt  }
0x59: {  	_ =	shalt  }
0x5a: {  	_ =	shalt  }
0x5b: {  	_ =	shalt  }
0x5c: {  	_ =	shalt  }
0x5d: {  	_ =	shalt  }
0x5e: {  	_ =	shalt  }
0x5f: {  	_ =	shalt  }
0x60: {  	_ =	shalt  }
0x61: {  	_ =	shalt  }
0x62: {  	_ =	shalt  }
0x63: {  	_ =	shalt  }
0x64: {  	_ =	shalt  }
0x65: {  	_ =	shalt  }
0x66: {  	_ =	shalt  }
0x67: {  	_ =	shalt  }
0x68: {  	_ =	shalt  }
0x69: {  	_ =	shalt  }
0x6a: {  	_ =	shalt  }
0x6b: {  	_ =	shalt  }
0x6c: {  	_ =	shalt  }
0x6d: {  	_ =	shalt  }
0x6e: {  	_ =	shalt  }
0x6f: {  	_ =	shalt  }
0x70: {  	_ =	shalt  }
0x71: {  	_ =	shalt  }
0x72: {  	_ =	shalt  }
0x73: {  	_ =	shalt  }
0x74: {  	_ =	shalt  }
0x75: {  	_ =	shalt  }
0x76: {  	_ =	shalt  }
0x77: {  	_ =	shalt  }
0x78: {  	_ =	shalt  }
0x79: {  	_ =	shalt  }
0x7a: {  	_ =	shalt  }
0x7b: {  	_ =	shalt  }
0x7c: {  	_ =	shalt  }
0x7d: {  	_ =	shalt  }
0x7e: {  	_ =	shalt  }
0x7f: {  	_ =	shalt  }
0x80: {  	_ =	shalt  }
0x81: {  	_ =	shalt  }
0x82: {  	_ =	shalt  }
0x83: {  	_ =	shalt  }
0x84: {  	_ =	shalt  }
0x85: {  	_ =	shalt  }
0x86: {  	_ =	shalt  }
0x87: {  	_ =	shalt  }
.Lfunc_end0:
.L_simem_size_0:
called_computation.1_lowered:
.L_overlay_start_0:
0x88: {  	s2 =	sld [smem:$0x3FD9]  }
0x89: {  	s3 =	sld [smem:$0x3FFE];
	_ =	sdelay $0x1  }
0x8a: {  	s1 =	srdreg.scid  }
0x8b: {  	s0 =	sand.u32 $0x1, s1  }
0x8c: {  	s15 =	sshll.u32 s0, $0xA;
	s2 =	sadd.s32 s3, s2  }
0x8d: {  	s2 =	sadd.s32 s2, s15  }
0x8e: {  	[smem:$0x3FC4] =	sst s2  }
0x8f: {  	_ = 	snop  }
0x90: {  	s2 =	sld [smem:$0x3FD0];
	_ =	sdelay $0x2  }
0x91: {  	s16 =	simm.s32 $0xB;
	s4 =	simm.s32 $0x10  }
0x92: {  	[smem:s4], [sflag:s16] =	dma.local [hbm:s2], $0x1  }
0x93: {  	_ =	swait.eq [sflag:s16], $0x1  }
0x94: {  	[sflag:s16] =	ssyncset.done $0x0  }
0x95: {  	[sflag:s16] =	ssyncadd.s32 $0xFFFFFFFF  }
0x96: {  	s17 =	sld [smem:$0x12];
	(tm) =	ssettm $0x1  }
0x97: {  	s18 =	sld [smem:$0x3FFB];
	_ =	sdelay $0x3  }
0x98: {  	_ =	strace s18  }
0x99: {  	s2 =	sld [smem:$0x3FFC];
	_ =	sdelay $0x3  }
0x9a: {  	_ =	strace s2  }
0x9b: {  	s2 =	sld [smem:$0x3FFD];
	_ =	sdelay $0x3  }
0x9c: {  	_ =	strace s2  }
0x9d: {  	_ =	strace $0x8FFFFFFF  }
0x9e: {  	s19 =	sld [smem:$0x3FDB];
	_ =	sdelay $0x1  }
0x9f: {  	s20 =	simm.s32 $_scs_section_size  }
0xa0: {  	s5 =	simm.s32 $_size__tile_overlayer_lowered;
	s6 =	simm.s32 $_tile_overlayer_lowered  }
0xa1: {  	s7 =	simm.s32 $0x1BFF;
	s21 =	sshll.u32 s6, $0x1;
	s4 =	sadd.s32 s20, s19  }
0xa2: {  	s22 =	simm.s32 $0x0;
	s5 =	sshll.u32 s5, $0x1;
	s6 =	sadd.s32 s21, s4  }
0xa3: {  	[timem:s22], [sflag:s7] =	dma.local [hbm:s6], s5  }
0xa4: {  	_ =	swait.ge [sflag:s7], s5  }
0xa5: {  	s5 =	ssub.s32 $0x0, s5;
	[sflag:s7] =	ssyncset.done $0x0  }
0xa6: {  	[sflag:s7] =	ssyncadd.s32 s5;
	_ =	sdelay $0x1  }
0xa7: {  	s23 =	simm.s32 $0x1B8B  }
0xa8: {  	_ =	swait.ge [sflag:s23], $0x1  }
0xa9: {  	[sflag:s23] =	ssyncset.done $0x0  }
0xaa: {  	[sflag:s23] =	ssyncadd.s32 $0xFFFFFFFF  }
0xab: {  	s5 =	sld [smem:$0x0]  }
0xac: {  	s6 =	sand.u32 $0xFFFFFFFE, s1  }
0xad: {  	p0 =	sne.s32 s1, s6  }
0xae: {  	s6 =	sshll.u32 @p0 s6, $0xE  }
0xaf: {  	s6 =	sadd.s32 @p0 $0x11B8D, s6;
	s7 =	sshll.u32 @p0 s5, $0x11  }
0xb0: {  	s6 =	sor.u32 @p0 s7, s6  }
0xb1: {  	[sflag:s6] =	ssyncadd.remote.s32 @p0 $0x1;
	_ =	sdelay $0x1  }
0xb2: {  	s6 =	simm.s32 @p0 $0x1B8D  }
0xb3: {  	_ =	swait.eq @p0 [sflag:s6], $0x1  }
0xb4: {  	[sflag:s6] =	ssyncadd.s32 @p0 $0xFFFFFFFF  }
0xb5: {  	s7 =	sshll.u32 @!p0 s1, $0xE  }
0xb6: {  	s7 =	sor.u32 @!p0 $0x4000, s7;
	s6 =	simm.s32 @!p0 $0x1B8D  }
0xb7: {  	s5 =	sshll.u32 @!p0 s5, $0x11;
	s7 =	sadd.s32 @!p0 $0x11B8D, s7;
	_ =	swait.eq @!p0 [sflag:s6], $0x1  }
0xb8: {  	s5 =	sor.u32 @!p0 s5, s7;
	[sflag:s6] =	ssyncadd.s32 @!p0 $0xFFFFFFFF  }
0xb9: {  	s25 =	simm.s32 $0x1B8E;
	s24 =	sld [smem:$0x3FFE];
	[sflag:s5] =	ssyncadd.remote.s32 @!p0 $0x1  }
0xba: {  	s26 =	simm.s32 $execute0_lowered;
	[smem:$0x3FD2] =	sst s25  }
0xbb: {  	s6 =	sshll.u32 s26, $0x1;
	_ =	strace $0x80000049;
	[dreg:$0x1] =	wrdreg $0xFFFFFFFF  }
0xbc: {  	s28 =	simm.s32 $_size_execute0_lowered;
	s4 =	sadd.s32 s4, s6;
	[dreg:$0x0] =	wrdreg $0x0  }
0xbd: {  	s6 =	sshll.u32 s28, $0x1;
	[dreg:$0x2] =	wrdreg s4  }
0xbe: {  	[dreg:$0x3] =	wrdreg s6  }
0xbf: {  	[dreg:$0x4] =	wrdreg $0xC0  }
0xc0: {  	_ =	task [dreg:s22], $0x5FFFF  }
0xc1: {  	[dreg:$0x1] =	wrdreg $0xFFFFFFFF  }
0xc2: {  	[dreg:$0x0] =	wrdreg $0x60  }
0xc3: {  	[dreg:$0x2] =	wrdreg s17  }
0xc4: {  	[dreg:$0x3] =	wrdreg s24  }
0xc5: {  	[dreg:$0x4] =	wrdreg $0xA  }
0xc6: {  	_ =	task.clear_ibuf [dreg:s22], $0x5FFFF;
	_ =	strace $0x90000049  }
0xc7: {  	s29 =	simm.s32 $0xA;
	_ =	strace $0x8000004B  }
0xc8: {  	_ =	swait.ge [sflag:s29], $0x1  }
0xc9: {  	[sflag:s29] =	ssyncadd.s32 $0xFFFFFFFF  }
0xca: {  	_ =	strace $0x9000004B  }
0xcb: {  	_ =	sfence  }
0xcc: {  	s30 =	sld [smem:$0x0];
	_ =	sdelay $0x2  }
0xcd: {  	s31 =	sshll.u32 s1, $0xD;
	s1 =	sshrl.u32 s1, $0x2  }
0xce: {  	s4 =	sand.u32 $0x4000, s31;
	s1 =	sadd.s32 s1, s30  }
0xcf: {  	s0 =	sor.u32 s4, s0;
	s1 =	sshll.u32 s1, $0x11  }
0xd0: {  	s0 =	sor.u32 s1, s0  }
0xd1: {  	s0 =	sadd.s32 $0x8F2B, s0  }
0xd2: {  	[sflag:s0] =	ssyncadd.remote.s32 $0x1  }
0xd3: {  	_ =	sfence.sel $0xFFFF  }
0xd4: {  	[dreg:$0x0] =	wrdreg $0xFFFFFFFF;
	(pc) =	sbr.abs _section_cstart, $3  }
0xd5: {  	[dreg:$0x1] =	wrdreg $0xFFFFFFFF  }
0xd6: {  	_ =	task.clear_ibuf [dreg:s22], $0x2FFFF;
	_ =	strace $0x9FFFFFFF  }
0xd7: {  	(tm) =	ssettm $0x7FFFFFFF  }
tec
execute0_lowered:
.L_overlay_start_1:
0x0: {  	(tag) =	ssettag $0x1  }
0x1: {  	s0 =	srdreg.scid;
	s1 =	rddreg [dreg:$0x0]  }
0x2: {  	s2 =	stileid.u32;
	s3 =	rddreg [dreg:$0x1];
	s13 =	simm.s32 $0x200  }
0x3: {  	s12 =	simm.s32 $0x80;
	s8 =	simm.s32 $0x400;
	s7 =	simm.s32 $0x2400  }
0x4: {  	s15 =	simm.s32 $0xC00;
	s16 =	simm.s32 $0x2C00;
	s14 =	simm.s32 $0x280  }
0x5: {  	s18 =	simm.s32 $0x4C00;
	s19 =	simm.s32 $0x6C00;
	s17 =	simm.s32 $0x100  }
0x6: {  	s21 =	simm.s32 $0x1400;
	s20 =	simm.s32 $0x300;
	p0 =	por $0x0, $0x0  }
0x7: {  	s28 =	simm.s32 $0x1C00;
	s29 =	simm.s32 $0x3C00;
	s30 =	simm.s32 $0x5C00  }
0x8: {  	s31 =	simm.s32 $0x7C00;
	s9 =	simm.s32 $0x1;
	s0 =	sand.u32 $0x1, s0  }
0x9: {  	s4 =	sshll.u32 s2, $0xA;
	s2 =	simm.s32 $0x0;
	s10 =	sadd.s32 $0x864000, s3  }
0xa: {  	s11 =	sadd.s32 $0x845600, s3;
	s5 =	sshll.u32 s0, $0x9;
	[smem:$0x7FF] =	sst s2  }
0xb: {  	s0 =	ssub.s32 $0x2, s0;
	s4 =	sor.u32 s5, s4;
	_ =	strace $0x8000004A  }
0xc: {  	s25 =	sshrl.u32 s0, $0x1;
	s5 =	sshrl.u32 s4, $0x3;
	s4 =	sshll.u32 s4, $0x1  }
0xd: {  	s0 =	ssub.s32 s0, s25;
	s25 =	simm.s32 $0x7400;
	s6 =	sadd.s32 s5, s3  }
0xe: {  	s1 =	sadd.s32 s1, s5;
	s4 =	sadd.s32 s4, s3;
	s0 =	smax.u32 s0, $0x1  }
0xf: {  	s3 =	simm.s32 $0x2;
	s5 =	simm.s32 $0x6400;
	[dreg:$0x3] =	wrdreg s1  }
0x10: {  	s22 =	sadd.s32 $0x3600, s6;
	s23 =	sadd.s32 $0x882A00, s4;
	p1 =	sne.s32 s0, $0x1  }
.Ltmp0:
0x11: {  	s24 =	sadd.s32 $0x88AA00, s4;
	[dreg:$0x4] =	wrdreg s22;
	(pc) =	sbr.rel @!p1 .LBB2_3-.Ltmp0, $4  }
0x12: {  	s26 =	sadd.s32 $0x892A00, s4;
	s4 =	sadd.s32 $0x89AA00, s4;
	[dreg:$0x5] =	wrdreg s23  }
0x13: {  	s6 =	simm.s32 $0x4400;
	s1 =	sadd.s32 $0xFFFFFFFF, s0;
	[dreg:$0x6] =	wrdreg s24  }
0x14: {  	[dreg:$0x7] =	wrdreg s26;
	s22 =	simm.s32 $0x3400;
	s24 =	simm.s32 $0x5400  }
0x15: {  	s23 =	simm.s32 $0x180;
	s26 =	simm.s32 $0x380;
	s0 =	rddreg [dreg:$0x3]  }
0x16: {  	[tilespmem:s2], [sflag:$0x2] =	stream.linear.gather [hbm4b:s0+s2], $0x200, $0x38;
	[tilespmem:$0x8400] =	vst v63  }
0x17: {  	_ =	swait.ge [sflag:s3], $0x200  }
0x18: {  	[sflag:s3] =	ssyncset.done $0x0  }
0x19: {  	s0 =	rddreg [dreg:$0x4];
	[sflag:s3] =	ssyncadd.s32 $0xFFFFFE00  }
0x1a: {  	[tilespmem:s13], [sflag:$0x2] =	stream.linear.gather [hbm4b:s0+s2], $0x200, $0x38;
	[tilespmem:$0x8400] =	vst v63  }
0x1b: {  	_ =	swait.ge [sflag:s3], $0x200  }
0x1c: {  	[sflag:s3] =	ssyncset.done $0x0  }
0x1d: {  	[sflag:s3] =	ssyncadd.s32 $0xFFFFFE00  }
0x1e: {  	[tilespmem:s8], [sflag:$0x1] =	stream.indirect.gather [hbm4b:s10+s12], $0x10, s2, s12, $0xb8;
	[tilespmem:$0x8400] =	vst v63  }
0x1f: {  	_ = 	snop  }
0x20: {  	[tilespmem:s7], [sflag:$0x1] =	stream.indirect.gather [hbm4b:s11+s12], $0x10, s2, s12, $0xb8;
	[tilespmem:$0x8400] =	vst v63  }
0x21: {  	_ = 	snop  }
0x22: {  	[tilespmem:s6], [sflag:$0x1] =	stream.indirect.gather [hbm4b:s10+s12], $0x10, s13, s12, $0xb8;
	[tilespmem:$0x8400] =	vst v63  }
0x23: {  	_ = 	snop  }
0x24: {  	[tilespmem:s5], [sflag:$0x1] =	stream.indirect.gather [hbm4b:s11+s12], $0x10, s13, s12, $0xb8;
	[tilespmem:$0x8400] =	vst v63  }
0x25: {  	_ = 	snop  }
0x26: {  	[tilespmem:s15], [sflag:$0x1] =	stream.indirect.gather [hbm4b:s10+s12], $0x10, s12, s12, $0xb8;
	[tilespmem:$0x8400] =	vst v63  }
0x27: {  	_ = 	snop  }
0x28: {  	[tilespmem:s16], [sflag:$0x1] =	stream.indirect.gather [hbm4b:s11+s12], $0x10, s12, s12, $0xb8;
	[tilespmem:$0x8400] =	vst v63  }
0x29: {  	_ = 	snop  }
0x2a: {  	[tilespmem:s18], [sflag:$0x1] =	stream.indirect.gather [hbm4b:s10+s12], $0x10, s14, s12, $0xb8;
	[tilespmem:$0x8400] =	vst v63  }
0x2b: {  	_ = 	snop  }
0x2c: {  	[tilespmem:s19], [sflag:$0x1] =	stream.indirect.gather [hbm4b:s11+s12], $0x10, s14, s12, $0xb8;
	[tilespmem:$0x8400] =	vst v63  }
0x2d: {  	_ = 	snop  }
0x2e: {  	[tilespmem:s21], [sflag:$0x1] =	stream.indirect.gather [hbm4b:s10+s12], $0x10, s17, s12, $0xb8;
	[tilespmem:$0x8400] =	vst v63  }
0x2f: {  	_ = 	snop  }
0x30: {  	[tilespmem:s22], [sflag:$0x1] =	stream.indirect.gather [hbm4b:s11+s12], $0x10, s17, s12, $0xb8;
	[tilespmem:$0x8400] =	vst v63  }
0x31: {  	_ = 	snop  }
0x32: {  	[tilespmem:s24], [sflag:$0x1] =	stream.indirect.gather [hbm4b:s10+s12], $0x10, s20, s12, $0xb8;
	[tilespmem:$0x8400] =	vst v63  }
0x33: {  	_ = 	snop  }
0x34: {  	[tilespmem:s25], [sflag:$0x1] =	stream.indirect.gather [hbm4b:s11+s12], $0x10, s20, s12, $0xb8;
	[tilespmem:$0x8400] =	vst v63  }
0x35: {  	_ = 	snop  }
0x36: {  	[tilespmem:s28], [sflag:$0x1] =	stream.indirect.gather [hbm4b:s10+s12], $0x10, s23, s12, $0xb8;
	[tilespmem:$0x8400] =	vst v63  }
0x37: {  	_ = 	snop  }
0x38: {  	[tilespmem:s29], [sflag:$0x1] =	stream.indirect.gather [hbm4b:s11+s12], $0x10, s23, s12, $0xb8;
	[tilespmem:$0x8400] =	vst v63  }
0x39: {  	_ = 	snop  }
0x3a: {  	[tilespmem:s30], [sflag:$0x1] =	stream.indirect.gather [hbm4b:s10+s12], $0x10, s26, s12, $0xb8;
	[tilespmem:$0x8400] =	vst v63  }
0x3b: {  	_ = 	snop  }
0x3c: {  	[tilespmem:s31], [sflag:$0x1] =	stream.indirect.gather [hbm4b:s11+s12], $0x10, s26, s12, $0xb8;
	[tilespmem:$0x8400] =	vst v63  }
0x3d: {  	_ =	swait.ge [sflag:s9], $0x800  }
0x3e: {  	[sflag:s9] =	ssyncset.done $0x0  }
0x3f: {  	[sflag:s9] =	ssyncadd.s32 $0xFFFFF800  }
0x40: {  	_ =	swait.ge [sflag:s9], $0x800  }
0x41: {  	[sflag:s9] =	ssyncset.done $0x0  }
0x42: {  	[sflag:s9] =	ssyncadd.s32 $0xFFFFF800  }
0x43: {  	_ =	swait.ge [sflag:s9], $0x800  }
0x44: {  	[sflag:s9] =	ssyncset.done $0x0  }
0x45: {  	[sflag:s9] =	ssyncadd.s32 $0xFFFFF800  }
0x46: {  	_ =	swait.ge [sflag:s9], $0x800  }
0x47: {  	[sflag:s9] =	ssyncset.done $0x0  }
0x48: {  	[sflag:s9] =	ssyncadd.s32 $0xFFFFF800  }
0x49: {  	_ =	swait.ge [sflag:s9], $0x800  }
0x4a: {  	[sflag:s9] =	ssyncset.done $0x0  }
0x4b: {  	[sflag:s9] =	ssyncadd.s32 $0xFFFFF800  }
0x4c: {  	_ =	swait.ge [sflag:s9], $0x800  }
0x4d: {  	[sflag:s9] =	ssyncset.done $0x0  }
0x4e: {  	[sflag:s9] =	ssyncadd.s32 $0xFFFFF800  }
0x4f: {  	_ =	swait.ge [sflag:s9], $0x800  }
0x50: {  	[sflag:s9] =	ssyncset.done $0x0  }
0x51: {  	[sflag:s9] =	ssyncadd.s32 $0xFFFFF800  }
0x52: {  	_ =	swait.ge [sflag:s9], $0x800  }
0x53: {  	[sflag:s9] =	ssyncset.done $0x0  }
0x54: {  	[sflag:s9] =	ssyncadd.s32 $0xFFFFF800  }
0x55: {  	_ =	swait.ge [sflag:s9], $0x800  }
0x56: {  	[sflag:s9] =	ssyncset.done $0x0  }
0x57: {  	[sflag:s9] =	ssyncadd.s32 $0xFFFFF800  }
0x58: {  	_ =	swait.ge [sflag:s9], $0x800  }
0x59: {  	[sflag:s9] =	ssyncset.done $0x0  }
0x5a: {  	[sflag:s9] =	ssyncadd.s32 $0xFFFFF800  }
0x5b: {  	_ =	swait.ge [sflag:s9], $0x800  }
0x5c: {  	[sflag:s9] =	ssyncset.done $0x0  }
0x5d: {  	[sflag:s9] =	ssyncadd.s32 $0xFFFFF800  }
0x5e: {  	_ =	swait.ge [sflag:s9], $0x800  }
0x5f: {  	[sflag:s9] =	ssyncset.done $0x0  }
0x60: {  	[sflag:s9] =	ssyncadd.s32 $0xFFFFF800  }
0x61: {  	_ =	swait.ge [sflag:s9], $0x800  }
0x62: {  	[sflag:s9] =	ssyncset.done $0x0  }
0x63: {  	[sflag:s9] =	ssyncadd.s32 $0xFFFFF800  }
0x64: {  	_ =	swait.ge [sflag:s9], $0x800  }
0x65: {  	[sflag:s9] =	ssyncset.done $0x0  }
0x66: {  	[sflag:s9] =	ssyncadd.s32 $0xFFFFF800  }
0x67: {  	_ =	swait.ge [sflag:s9], $0x800  }
0x68: {  	[sflag:s9] =	ssyncset.done $0x0  }
0x69: {  	[sflag:s9] =	ssyncadd.s32 $0xFFFFF800  }
0x6a: {  	_ =	swait.ge [sflag:s9], $0x800  }
0x6b: {  	[sflag:s9] =	ssyncset.done $0x0  }
0x6c: {  	s0 =	rddreg [dreg:$0x5];
	[sflag:s9] =	ssyncadd.s32 $0xFFFFF800  }
0x6d: {  	[hbm4b:s0+s2] =	stream.linear.scatter [tilespmem:s8], [sflag:$0x2], $0x2000, $0x38;
	[tilespmem:$0x8400] =	vst v63  }
0x6e: {  	_ =	swait.ge [sflag:s3], $0x2000  }
0x6f: {  	[sflag:s3] =	ssyncset.done $0x0  }
0x70: {  	s0 =	rddreg [dreg:$0x6];
	[sflag:s3] =	ssyncadd.s32 $0xFFFFE000  }
0x71: {  	[hbm4b:s0+s2] =	stream.linear.scatter [tilespmem:s7], [sflag:$0x2], $0x2000, $0x38;
	[tilespmem:$0x8400] =	vst v63  }
0x72: {  	_ =	swait.ge [sflag:s3], $0x2000  }
0x73: {  	[sflag:s3] =	ssyncset.done $0x0  }
0x74: {  	s0 =	rddreg [dreg:$0x7];
	[sflag:s3] =	ssyncadd.s32 $0xFFFFE000  }
0x75: {  	[hbm4b:s0+s2] =	stream.linear.scatter [tilespmem:s6], [sflag:$0x2], $0x2000, $0x38;
	[tilespmem:$0x8400] =	vst v63  }
0x76: {  	p1 =	sne.s32 s1, $0x1;
	_ =	swait.ge [sflag:s3], $0x2000  }
.Ltmp1:
0x77: {  	[sflag:s3] =	ssyncset.done $0x0;
	(pc) =	sbr.rel @!p1 .LBB2_3-.Ltmp1, $4  }
0x78: {  	[sflag:s3] =	ssyncadd.s32 $0xFFFFE000  }
0x79: {  	[hbm4b:s4+s2] =	stream.linear.scatter [tilespmem:s5], [sflag:$0x2], $0x2000, $0x38;
	[tilespmem:$0x8400] =	vst v63  }
0x7a: {  	s1 =	sadd.s32 $0xFFFFFFFF, s1;
	_ =	swait.ge [sflag:s3], $0x2000  }
0x7b: {  	p0 =	por $0x1, $0x1;
	s0 =	rddreg [dreg:$0x3];
	[sflag:s3] =	ssyncset.done $0x0  }
.LBB2_2:
0x7c: {  	[sflag:s3] =	ssyncadd.s32 $0xFFFFE000  }
0x7d: {  	[tilespmem:s2], [sflag:$0x2] =	stream.linear.gather [hbm4b:s0+s2], $0x200, $0x38;
	[tilespmem:$0x8400] =	vst v63  }
0x7e: {  	_ =	swait.ge [sflag:s3], $0x200  }
0x7f: {  	[sflag:s3] =	ssyncset.done $0x0  }
0x80: {  	s0 =	rddreg [dreg:$0x4];
	[sflag:s3] =	ssyncadd.s32 $0xFFFFFE00  }
0x81: {  	[tilespmem:s13], [sflag:$0x2] =	stream.linear.gather [hbm4b:s0+s2], $0x200, $0x38;
	[tilespmem:$0x8400] =	vst v63  }
0x82: {  	_ =	swait.ge [sflag:s3], $0x200  }
0x83: {  	[sflag:s3] =	ssyncset.done $0x0  }
0x84: {  	[sflag:s3] =	ssyncadd.s32 $0xFFFFFE00  }
0x85: {  	[tilespmem:s8], [sflag:$0x1] =	stream.indirect.gather [hbm4b:s10+s12], $0x10, s2, s12, $0xb8;
	[tilespmem:$0x8400] =	vst v63  }
0x86: {  	_ = 	snop  }
0x87: {  	[tilespmem:s7], [sflag:$0x1] =	stream.indirect.gather [hbm4b:s11+s12], $0x10, s2, s12, $0xb8;
	[tilespmem:$0x8400] =	vst v63  }
0x88: {  	_ = 	snop  }
0x89: {  	[tilespmem:s6], [sflag:$0x1] =	stream.indirect.gather [hbm4b:s10+s12], $0x10, s13, s12, $0xb8;
	[tilespmem:$0x8400] =	vst v63  }
0x8a: {  	_ = 	snop  }
0x8b: {  	[tilespmem:s5], [sflag:$0x1] =	stream.indirect.gather [hbm4b:s11+s12], $0x10, s13, s12, $0xb8;
	[tilespmem:$0x8400] =	vst v63  }
0x8c: {  	_ = 	snop  }
0x8d: {  	[tilespmem:s15], [sflag:$0x1] =	stream.indirect.gather [hbm4b:s10+s12], $0x10, s12, s12, $0xb8;
	[tilespmem:$0x8400] =	vst v63  }
0x8e: {  	_ = 	snop  }
0x8f: {  	[tilespmem:s16], [sflag:$0x1] =	stream.indirect.gather [hbm4b:s11+s12], $0x10, s12, s12, $0xb8;
	[tilespmem:$0x8400] =	vst v63  }
0x90: {  	_ = 	snop  }
0x91: {  	[tilespmem:s18], [sflag:$0x1] =	stream.indirect.gather [hbm4b:s10+s12], $0x10, s14, s12, $0xb8;
	[tilespmem:$0x8400] =	vst v63  }
0x92: {  	_ = 	snop  }
0x93: {  	[tilespmem:s19], [sflag:$0x1] =	stream.indirect.gather [hbm4b:s11+s12], $0x10, s14, s12, $0xb8;
	[tilespmem:$0x8400] =	vst v63  }
0x94: {  	_ = 	snop  }
0x95: {  	[tilespmem:s21], [sflag:$0x1] =	stream.indirect.gather [hbm4b:s10+s12], $0x10, s17, s12, $0xb8;
	[tilespmem:$0x8400] =	vst v63  }
0x96: {  	_ = 	snop  }
0x97: {  	[tilespmem:s22], [sflag:$0x1] =	stream.indirect.gather [hbm4b:s11+s12], $0x10, s17, s12, $0xb8;
	[tilespmem:$0x8400] =	vst v63  }
0x98: {  	_ = 	snop  }
0x99: {  	[tilespmem:s24], [sflag:$0x1] =	stream.indirect.gather [hbm4b:s10+s12], $0x10, s20, s12, $0xb8;
	[tilespmem:$0x8400] =	vst v63  }
0x9a: {  	_ = 	snop  }
0x9b: {  	[tilespmem:s25], [sflag:$0x1] =	stream.indirect.gather [hbm4b:s11+s12], $0x10, s20, s12, $0xb8;
	[tilespmem:$0x8400] =	vst v63  }
0x9c: {  	_ = 	snop  }
0x9d: {  	[tilespmem:s28], [sflag:$0x1] =	stream.indirect.gather [hbm4b:s10+s12], $0x10, s23, s12, $0xb8;
	[tilespmem:$0x8400] =	vst v63  }
0x9e: {  	_ = 	snop  }
0x9f: {  	[tilespmem:s29], [sflag:$0x1] =	stream.indirect.gather [hbm4b:s11+s12], $0x10, s23, s12, $0xb8;
	[tilespmem:$0x8400] =	vst v63  }
0xa0: {  	_ = 	snop  }
0xa1: {  	[tilespmem:s30], [sflag:$0x1] =	stream.indirect.gather [hbm4b:s10+s12], $0x10, s26, s12, $0xb8;
	[tilespmem:$0x8400] =	vst v63  }
0xa2: {  	_ = 	snop  }
0xa3: {  	[tilespmem:s31], [sflag:$0x1] =	stream.indirect.gather [hbm4b:s11+s12], $0x10, s26, s12, $0xb8;
	[tilespmem:$0x8400] =	vst v63  }
0xa4: {  	_ =	swait.ge [sflag:s9], $0x800  }
0xa5: {  	[sflag:s9] =	ssyncset.done $0x0  }
0xa6: {  	[sflag:s9] =	ssyncadd.s32 $0xFFFFF800  }
0xa7: {  	_ =	swait.ge [sflag:s9], $0x800  }
0xa8: {  	[sflag:s9] =	ssyncset.done $0x0  }
0xa9: {  	[sflag:s9] =	ssyncadd.s32 $0xFFFFF800  }
0xaa: {  	_ =	swait.ge [sflag:s9], $0x800  }
0xab: {  	[sflag:s9] =	ssyncset.done $0x0  }
0xac: {  	[sflag:s9] =	ssyncadd.s32 $0xFFFFF800  }
0xad: {  	_ =	swait.ge [sflag:s9], $0x800  }
0xae: {  	[sflag:s9] =	ssyncset.done $0x0  }
0xaf: {  	[sflag:s9] =	ssyncadd.s32 $0xFFFFF800  }
0xb0: {  	_ =	swait.ge [sflag:s9], $0x800  }
0xb1: {  	[sflag:s9] =	ssyncset.done $0x0  }
0xb2: {  	[sflag:s9] =	ssyncadd.s32 $0xFFFFF800  }
0xb3: {  	_ =	swait.ge [sflag:s9], $0x800  }
0xb4: {  	[sflag:s9] =	ssyncset.done $0x0  }
0xb5: {  	[sflag:s9] =	ssyncadd.s32 $0xFFFFF800  }
0xb6: {  	_ =	swait.ge [sflag:s9], $0x800  }
0xb7: {  	[sflag:s9] =	ssyncset.done $0x0  }
0xb8: {  	[sflag:s9] =	ssyncadd.s32 $0xFFFFF800  }
0xb9: {  	_ =	swait.ge [sflag:s9], $0x800  }
0xba: {  	[sflag:s9] =	ssyncset.done $0x0  }
0xbb: {  	[sflag:s9] =	ssyncadd.s32 $0xFFFFF800  }
0xbc: {  	_ =	swait.ge [sflag:s9], $0x800  }
0xbd: {  	[sflag:s9] =	ssyncset.done $0x0  }
0xbe: {  	[sflag:s9] =	ssyncadd.s32 $0xFFFFF800  }
0xbf: {  	_ =	swait.ge [sflag:s9], $0x800  }
0xc0: {  	[sflag:s9] =	ssyncset.done $0x0  }
0xc1: {  	[sflag:s9] =	ssyncadd.s32 $0xFFFFF800  }
0xc2: {  	_ =	swait.ge [sflag:s9], $0x800  }
0xc3: {  	[sflag:s9] =	ssyncset.done $0x0  }
0xc4: {  	[sflag:s9] =	ssyncadd.s32 $0xFFFFF800  }
0xc5: {  	_ =	swait.ge [sflag:s9], $0x800  }
0xc6: {  	[sflag:s9] =	ssyncset.done $0x0  }
0xc7: {  	[sflag:s9] =	ssyncadd.s32 $0xFFFFF800  }
0xc8: {  	_ =	swait.ge [sflag:s9], $0x800  }
0xc9: {  	[sflag:s9] =	ssyncset.done $0x0  }
0xca: {  	[sflag:s9] =	ssyncadd.s32 $0xFFFFF800  }
0xcb: {  	_ =	swait.ge [sflag:s9], $0x800  }
0xcc: {  	[sflag:s9] =	ssyncset.done $0x0  }
0xcd: {  	[sflag:s9] =	ssyncadd.s32 $0xFFFFF800  }
0xce: {  	_ =	swait.ge [sflag:s9], $0x800  }
0xcf: {  	[sflag:s9] =	ssyncset.done $0x0  }
0xd0: {  	[sflag:s9] =	ssyncadd.s32 $0xFFFFF800  }
0xd1: {  	_ =	swait.ge [sflag:s9], $0x800  }
0xd2: {  	[sflag:s9] =	ssyncset.done $0x0  }
0xd3: {  	s0 =	rddreg [dreg:$0x5];
	[sflag:s9] =	ssyncadd.s32 $0xFFFFF800  }
0xd4: {  	[hbm4b:s0+s2] =	stream.linear.scatter [tilespmem:s8], [sflag:$0x2], $0x2000, $0x38;
	[tilespmem:$0x8400] =	vst v63  }
0xd5: {  	_ =	swait.ge [sflag:s3], $0x2000  }
0xd6: {  	[sflag:s3] =	ssyncset.done $0x0  }
0xd7: {  	s0 =	rddreg [dreg:$0x6];
	[sflag:s3] =	ssyncadd.s32 $0xFFFFE000  }
0xd8: {  	[hbm4b:s0+s2] =	stream.linear.scatter [tilespmem:s7], [sflag:$0x2], $0x2000, $0x38;
	[tilespmem:$0x8400] =	vst v63  }
0xd9: {  	_ =	swait.ge [sflag:s3], $0x2000  }
0xda: {  	[sflag:s3] =	ssyncset.done $0x0  }
0xdb: {  	s0 =	rddreg [dreg:$0x7];
	[sflag:s3] =	ssyncadd.s32 $0xFFFFE000  }
0xdc: {  	[hbm4b:s0+s2] =	stream.linear.scatter [tilespmem:s6], [sflag:$0x2], $0x2000, $0x38;
	[tilespmem:$0x8400] =	vst v63  }
0xdd: {  	p1 =	sne.s32 s1, $0x1;
	_ =	swait.ge [sflag:s3], $0x2000  }
.Ltmp2:
0xde: {  	[sflag:s3] =	ssyncset.done $0x0;
	(pc) =	sbr.rel @p1 .LBB2_2-.Ltmp2, $4  }
0xdf: {  	[sflag:s3] =	ssyncadd.s32 $0xFFFFE000  }
0xe0: {  	[hbm4b:s4+s2] =	stream.linear.scatter [tilespmem:s5], [sflag:$0x2], $0x2000, $0x38;
	[tilespmem:$0x8400] =	vst v63  }
0xe1: {  	_ =	swait.ge [sflag:s3], $0x2000  }
0xe2: {  	s1 =	sadd.s32 $0xFFFFFFFF, s1;
	s0 =	rddreg [dreg:$0x3];
	[sflag:s3] =	ssyncset.done $0x0  }
.LBB2_3:
0xe3: {  	[sflag:s3] =	ssyncadd.s32 @p0 $0xFFFFE000  }
0xe4: {  	[tilespmem:s2], [sflag:$0x2] =	stream.linear.gather [hbm4b:s0+s2], $0x200, $0x38;
	[tilespmem:$0x8400] =	vst v63  }
0xe5: {  	_ =	swait.ge [sflag:s3], $0x200  }
0xe6: {  	[sflag:s3] =	ssyncset.done $0x0  }
0xe7: {  	s1 =	rddreg [dreg:$0x4];
	[sflag:s3] =	ssyncadd.s32 $0xFFFFFE00  }
0xe8: {  	[tilespmem:s13], [sflag:$0x2] =	stream.linear.gather [hbm4b:s1+s2], $0x200, $0x38;
	[tilespmem:$0x8400] =	vst v63  }
0xe9: {  	_ =	swait.ge [sflag:s3], $0x200  }
0xea: {  	[sflag:s3] =	ssyncset.done $0x0  }
0xeb: {  	[sflag:s3] =	ssyncadd.s32 $0xFFFFFE00  }
0xec: {  	[tilespmem:s8], [sflag:$0x1] =	stream.indirect.gather [hbm4b:s10+s12], $0x10, s2, s12, $0xb8;
	[tilespmem:$0x8400] =	vst v63  }
0xed: {  	_ = 	snop  }
0xee: {  	[tilespmem:s7], [sflag:$0x1] =	stream.indirect.gather [hbm4b:s11+s12], $0x10, s2, s12, $0xb8;
	[tilespmem:$0x8400] =	vst v63  }
0xef: {  	_ = 	snop  }
0xf0: {  	[tilespmem:s6], [sflag:$0x1] =	stream.indirect.gather [hbm4b:s10+s12], $0x10, s13, s12, $0xb8;
	[tilespmem:$0x8400] =	vst v63  }
0xf1: {  	_ = 	snop  }
0xf2: {  	[tilespmem:s5], [sflag:$0x1] =	stream.indirect.gather [hbm4b:s11+s12], $0x10, s13, s12, $0xb8;
	[tilespmem:$0x8400] =	vst v63  }
0xf3: {  	_ = 	snop  }
0xf4: {  	[tilespmem:s15], [sflag:$0x1] =	stream.indirect.gather [hbm4b:s10+s12], $0x10, s12, s12, $0xb8;
	[tilespmem:$0x8400] =	vst v63  }
0xf5: {  	_ = 	snop  }
0xf6: {  	[tilespmem:s16], [sflag:$0x1] =	stream.indirect.gather [hbm4b:s11+s12], $0x10, s12, s12, $0xb8;
	[tilespmem:$0x8400] =	vst v63  }
0xf7: {  	_ = 	snop  }
0xf8: {  	[tilespmem:s18], [sflag:$0x1] =	stream.indirect.gather [hbm4b:s10+s12], $0x10, s14, s12, $0xb8;
	[tilespmem:$0x8400] =	vst v63  }
0xf9: {  	_ = 	snop  }
0xfa: {  	[tilespmem:s19], [sflag:$0x1] =	stream.indirect.gather [hbm4b:s11+s12], $0x10, s14, s12, $0xb8;
	[tilespmem:$0x8400] =	vst v63  }
0xfb: {  	_ = 	snop  }
0xfc: {  	[tilespmem:s21], [sflag:$0x1] =	stream.indirect.gather [hbm4b:s10+s12], $0x10, s17, s12, $0xb8;
	[tilespmem:$0x8400] =	vst v63  }
0xfd: {  	_ = 	snop  }
0xfe: {  	[tilespmem:s22], [sflag:$0x1] =	stream.indirect.gather [hbm4b:s11+s12], $0x10, s17, s12, $0xb8;
	[tilespmem:$0x8400] =	vst v63  }
0xff: {  	_ = 	snop  }
0x100: {  	[tilespmem:s24], [sflag:$0x1] =	stream.indirect.gather [hbm4b:s10+s12], $0x10, s20, s12, $0xb8;
	[tilespmem:$0x8400] =	vst v63  }
0x101: {  	_ = 	snop  }
0x102: {  	[tilespmem:s25], [sflag:$0x1] =	stream.indirect.gather [hbm4b:s11+s12], $0x10, s20, s12, $0xb8;
	[tilespmem:$0x8400] =	vst v63  }
0x103: {  	_ = 	snop  }
0x104: {  	[tilespmem:s28], [sflag:$0x1] =	stream.indirect.gather [hbm4b:s10+s12], $0x10, s23, s12, $0xb8;
	[tilespmem:$0x8400] =	vst v63  }
0x105: {  	_ = 	snop  }
0x106: {  	[tilespmem:s29], [sflag:$0x1] =	stream.indirect.gather [hbm4b:s11+s12], $0x10, s23, s12, $0xb8;
	[tilespmem:$0x8400] =	vst v63  }
0x107: {  	_ = 	snop  }
0x108: {  	[tilespmem:s30], [sflag:$0x1] =	stream.indirect.gather [hbm4b:s10+s12], $0x10, s26, s12, $0xb8;
	[tilespmem:$0x8400] =	vst v63  }
0x109: {  	_ = 	snop  }
0x10a: {  	[tilespmem:s31], [sflag:$0x1] =	stream.indirect.gather [hbm4b:s11+s12], $0x10, s26, s12, $0xb8;
	[tilespmem:$0x8400] =	vst v63  }
0x10b: {  	_ =	swait.ge [sflag:s9], $0x800  }
0x10c: {  	[sflag:s9] =	ssyncset.done $0x0  }
0x10d: {  	[sflag:s9] =	ssyncadd.s32 $0xFFFFF800  }
0x10e: {  	_ =	swait.ge [sflag:s9], $0x800  }
0x10f: {  	[sflag:s9] =	ssyncset.done $0x0  }
0x110: {  	[sflag:s9] =	ssyncadd.s32 $0xFFFFF800  }
0x111: {  	_ =	swait.ge [sflag:s9], $0x800  }
0x112: {  	[sflag:s9] =	ssyncset.done $0x0  }
0x113: {  	[sflag:s9] =	ssyncadd.s32 $0xFFFFF800  }
0x114: {  	_ =	swait.ge [sflag:s9], $0x800  }
0x115: {  	[sflag:s9] =	ssyncset.done $0x0  }
0x116: {  	[sflag:s9] =	ssyncadd.s32 $0xFFFFF800  }
0x117: {  	_ =	swait.ge [sflag:s9], $0x800  }
0x118: {  	[sflag:s9] =	ssyncset.done $0x0  }
0x119: {  	[sflag:s9] =	ssyncadd.s32 $0xFFFFF800  }
0x11a: {  	_ =	swait.ge [sflag:s9], $0x800  }
0x11b: {  	[sflag:s9] =	ssyncset.done $0x0  }
0x11c: {  	[sflag:s9] =	ssyncadd.s32 $0xFFFFF800  }
0x11d: {  	_ =	swait.ge [sflag:s9], $0x800  }
0x11e: {  	[sflag:s9] =	ssyncset.done $0x0  }
0x11f: {  	[sflag:s9] =	ssyncadd.s32 $0xFFFFF800  }
0x120: {  	_ =	swait.ge [sflag:s9], $0x800  }
0x121: {  	[sflag:s9] =	ssyncset.done $0x0  }
0x122: {  	[sflag:s9] =	ssyncadd.s32 $0xFFFFF800  }
0x123: {  	_ =	swait.ge [sflag:s9], $0x800  }
0x124: {  	[sflag:s9] =	ssyncset.done $0x0  }
0x125: {  	[sflag:s9] =	ssyncadd.s32 $0xFFFFF800  }
0x126: {  	_ =	swait.ge [sflag:s9], $0x800  }
0x127: {  	[sflag:s9] =	ssyncset.done $0x0  }
0x128: {  	[sflag:s9] =	ssyncadd.s32 $0xFFFFF800  }
0x129: {  	_ =	swait.ge [sflag:s9], $0x800  }
0x12a: {  	[sflag:s9] =	ssyncset.done $0x0  }
0x12b: {  	[sflag:s9] =	ssyncadd.s32 $0xFFFFF800  }
0x12c: {  	_ =	swait.ge [sflag:s9], $0x800  }
0x12d: {  	[sflag:s9] =	ssyncset.done $0x0  }
0x12e: {  	[sflag:s9] =	ssyncadd.s32 $0xFFFFF800  }
0x12f: {  	_ =	swait.ge [sflag:s9], $0x800  }
0x130: {  	[sflag:s9] =	ssyncset.done $0x0  }
0x131: {  	[sflag:s9] =	ssyncadd.s32 $0xFFFFF800  }
0x132: {  	_ =	swait.ge [sflag:s9], $0x800  }
0x133: {  	[sflag:s9] =	ssyncset.done $0x0  }
0x134: {  	[sflag:s9] =	ssyncadd.s32 $0xFFFFF800  }
0x135: {  	_ =	swait.ge [sflag:s9], $0x800  }
0x136: {  	[sflag:s9] =	ssyncset.done $0x0  }
0x137: {  	[sflag:s9] =	ssyncadd.s32 $0xFFFFF800  }
0x138: {  	_ =	swait.ge [sflag:s9], $0x800  }
0x139: {  	[sflag:s9] =	ssyncset.done $0x0  }
0x13a: {  	s28 =	rddreg [dreg:$0x5];
	[sflag:s9] =	ssyncadd.s32 $0xFFFFF800  }
0x13b: {  	[hbm4b:s28+s2] =	stream.linear.scatter [tilespmem:s8], [sflag:$0x2], $0x2000, $0x38;
	[tilespmem:$0x8400] =	vst v63  }
0x13c: {  	_ =	swait.ge [sflag:s3], $0x2000  }
0x13d: {  	[sflag:s3] =	ssyncset.done $0x0  }
0x13e: {  	s29 =	rddreg [dreg:$0x6];
	[sflag:s3] =	ssyncadd.s32 $0xFFFFE000  }
0x13f: {  	[hbm4b:s29+s2] =	stream.linear.scatter [tilespmem:s7], [sflag:$0x2], $0x2000, $0x38;
	[tilespmem:$0x8400] =	vst v63  }
0x140: {  	_ =	swait.ge [sflag:s3], $0x2000  }
0x141: {  	[sflag:s3] =	ssyncset.done $0x0  }
0x142: {  	s30 =	rddreg [dreg:$0x7];
	[sflag:s3] =	ssyncadd.s32 $0xFFFFE000  }
0x143: {  	[hbm4b:s30+s2] =	stream.linear.scatter [tilespmem:s6], [sflag:$0x2], $0x2000, $0x38;
	[tilespmem:$0x8400] =	vst v63  }
0x144: {  	_ =	swait.ge [sflag:s3], $0x2000  }
0x145: {  	[sflag:s3] =	ssyncset.done $0x0  }
0x146: {  	[sflag:s3] =	ssyncadd.s32 $0xFFFFE000  }
0x147: {  	[hbm4b:s4+s2] =	stream.linear.scatter [tilespmem:s5], [sflag:$0x2], $0x2000, $0x38;
	[tilespmem:$0x8400] =	vst v63  }
0x148: {  	_ =	swait.ge [sflag:s3], $0x2000  }
0x149: {  	[sflag:s3] =	ssyncset.done $0x0  }
0x14a: {  	[sflag:s3] =	ssyncadd.s32 $0xFFFFE000  }
0x14b: {  	_ =	sfence.sel $0x180000  }
0x14c: {  	[bflag:$0x0] =	sbarrier.arrive $0xFFFF  }
0x14d: {  	_ =	strace $0x9000004A  }
0x14e: {  	s31 =	stileid.u32;
	[bflag:$0x2] =	sbarrier.arrive $0xFFFF  }
0x14f: {  	p0 =	sne.s32 s31, $0x0;
	s0 =	rddreg [dreg:$0x2]  }
0x150: {  	s0 =	sadd.s32 @!p0 $0x100000, s0  }
0x151: {  	[sflag:s0] =	ssyncadd.tile.s32 @!p0 $0x1;
	_ =	shalt  }
.Lfunc_end2:
_tile_overlayer_lowered:
.L_overlay_start_2:
0x152: {  	(tag) =	ssettag $0x2  }
0x153: {  	s0 =	rddreg [dreg:$0x0];
	s2 =	stileid.u32  }
0x154: {  	s1 =	rddreg [dreg:$0x1];
	p0 =	sne.s32 s2, $0x0  }
0x155: {  	s3 =	rddreg [dreg:$0x2];
	[bflag:$0x3] =	sbarrier.arrive $0xFFFF;
	s2 =	simm.s32 @!p0 $0x1C02  }
0x156: {  	[timem:s3], [sflag:s2] =	dma.local @!p0 [hbm:s0], s1  }
0x157: {  	s0 =	simm.s32 @!p0 $0x2  }
0x158: {  	_ =	swait.ge @!p0 [sflag:s0], s1  }
0x159: {  	s1 =	ssub.s32 @!p0 $0x0, s1;
	[sflag:s0] =	ssyncset.done @!p0 $0x0  }
0x15a: {  	[sflag:s0] =	ssyncadd.s32 @!p0 s1  }
0x15b: {  	[bflag:$0x3] =	sbarrier.arrive $0xFFFF  }
0x15c: {  	_ =	shalt  }

</sc_bundles>
